<compile_context>
chip_gen: v7x
topology: tpu7x:2x2x1
jax: 0.10.2.dev20260603
libtpu: 0.0.44.dev20260713+nightly
codegen_flags: <defaults>
</compile_context>

<pallas_src>
import functools

import jax
import jax.numpy as jnp
from jax import lax
from jax.experimental import pallas as pl
from jax.experimental.pallas import tpu as pltpu
from jax.experimental.pallas import tpu_sc as plsc

_NC = 2
_NS = 16
_NW = _NC * _NS
_CH = 128


def _sc_gather4(u2, i2, tug, tig, tum, tim):
    nrow, ncol = u2.shape
    B = nrow * ncol
    W = tug.shape[1]
    bpw = B // _NW
    nch = bpw // _CH
    rows_per_w = bpw // ncol

    mesh = plsc.VectorSubcoreMesh(core_axis_name="c", subcore_axis_name="s")

    @functools.partial(
        pl.kernel,
        mesh=mesh,
        out_type=[jax.ShapeDtypeStruct((B, W), jnp.float32)] * 4,
        scratch_types=[
            pltpu.VMEM((rows_per_w, ncol), jnp.int32),
            pltpu.VMEM((rows_per_w, ncol), jnp.int32),
            pltpu.VMEM((_CH, W), jnp.float32),
            pltpu.VMEM((_CH, W), jnp.float32),
            pltpu.SemaphoreType.DMA,
            pltpu.SemaphoreType.DMA,
            pltpu.SemaphoreType.DMA,
            pltpu.SemaphoreType.DMA,
        ],
    )
    def k(u2_h, i2_h, tug_h, tig_h, tum_h, tim_h,
          o_ug, o_ig, o_um, o_im,
          idx_u, idx_i, buf0, buf1, sg0, sg1, sw0, sw1):
        wid = lax.axis_index("s") * _NC + lax.axis_index("c")
        base = wid * bpw
        pltpu.sync_copy(u2_h.at[pl.ds(wid * rows_per_w, rows_per_w)], idx_u)
        pltpu.sync_copy(i2_h.at[pl.ds(wid * rows_per_w, rows_per_w)], idx_i)

        tasks = []
        for tbl, out, idxv in ((tug_h, o_ug, idx_u), (tum_h, o_um, idx_u),
                               (tig_h, o_ig, idx_i), (tim_h, o_im, idx_i)):
            for j in range(nch):
                tasks.append((tbl, out, idxv, j))

        bufs = (buf0, buf1)
        sgs = (sg0, sg1)
        sws = (sw0, sw1)
        gathers = [None, None]
        writes = [None, None]

        def fire_gather(t):
            tbl, _, idxv, j = tasks[t]
            p = t & 1
            gathers[p] = pltpu.async_copy(tbl.at[idxv.at[j]], bufs[p], sgs[p])

        fire_gather(0)
        for t in range(len(tasks)):
            p = t & 1
            if t + 1 < len(tasks):
                q = (t + 1) & 1
                if writes[q] is not None:
                    writes[q].wait()
                    writes[q] = None
                fire_gather(t + 1)
            gathers[p].wait()
            _, out, _, j = tasks[t]
            writes[p] = pltpu.async_copy(
                bufs[p], out.at[pl.ds(base + j * _CH, _CH)], sws[p])
        for p in (0, 1):
            if writes[p] is not None:
                writes[p].wait()

    return k(u2, i2, tug, tig, tum, tim)


def _tc_dense(r_ug, r_ig, r_um, r_im, up, ip, w1u, w1i, b1, w2, b2, w3, b3,
              whg, whl, bh):
    B, W = r_ug.shape
    D = W // 2
    BB = 2048
    grid = B // BB

    def body(r_ug_r, r_ig_r, r_um_r, r_im_r, up_r, ip_r,
             w1u_r, w1i_r, b1_r, w2_r, b2_r, w3_r, b3_r,
             whg_r, whl_r, bh_r, out_r):
        mu = up_r[...] == 0
        mi = ip_r[...] == 0
        rug = r_ug_r[...]
        rig = r_ig_r[...]
        rum = r_um_r[...]
        rim = r_im_r[...]
        pu_g = jnp.where(mu, rug[:, :D], rug[:, D:])
        qi_g = jnp.where(mi, rig[:, :D], rig[:, D:])
        pu_m = jnp.where(mu, rum[:, :D], rum[:, D:])
        qi_m = jnp.where(mi, rim[:, :D], rim[:, D:])
        gmf = pu_g * qi_g
        l1 = jnp.maximum(
            jnp.dot(pu_m, w1u_r[...], preferred_element_type=jnp.float32)
            + jnp.dot(qi_m, w1i_r[...], preferred_element_type=jnp.float32)
            + b1_r[...], 0.0)
        l2 = jnp.maximum(
            jnp.dot(l1, w2_r[...], preferred_element_type=jnp.float32)
            + b2_r[...], 0.0)
        l3 = jnp.maximum(
            jnp.dot(l2, w3_r[...], preferred_element_type=jnp.float32)
            + b3_r[...], 0.0)
        s = (jnp.sum(gmf * whg_r[...], axis=1, keepdims=True)
             + jnp.sum(l3 * whl_r[...], axis=1, keepdims=True)
             + bh_r[...])
        out_r[...] = 1.0 / (1.0 + jnp.exp(-s))

    row_spec = pl.BlockSpec((BB, W), lambda i: (i, 0))
    par_spec = pl.BlockSpec((BB, 1), lambda i: (i, 0))
    full = lambda a: pl.BlockSpec(a.shape, lambda i: (0,) * a.ndim)
    return pl.pallas_call(
        body,
        grid=(grid,),
        in_specs=[row_spec, row_spec, row_spec, row_spec, par_spec, par_spec,
                  full(w1u), full(w1i), full(b1), full(w2), full(b2),
                  full(w3), full(b3), full(whg), full(whl), full(bh)],
        out_specs=pl.BlockSpec((BB, 1), lambda i: (i, 0)),
        out_shape=jax.ShapeDtypeStruct((B, 1), jnp.float32),
    )(r_ug, r_ig, r_um, r_im, up, ip, w1u, w1i, b1, w2, b2, w3, b3,
      whg, whl, bh)


def kernel(user, item, embed_u_gmf, embed_i_gmf, embed_u_mlp, embed_i_mlp,
           W1, b1, W2, b2, W3, b3, WH, bH):
    B = user.shape[0]
    D = embed_u_gmf.shape[1]
    user = user.astype(jnp.int32)
    item = item.astype(jnp.int32)
    u2 = (user >> 1).reshape(B // 128, 128)
    i2 = (item >> 1).reshape(B // 128, 128)
    up = (user & 1).reshape(B, 1)
    ip = (item & 1).reshape(B, 1)
    V = embed_u_gmf.shape[0]
    tug = embed_u_gmf.reshape(V // 2, 2 * D)
    tig = embed_i_gmf.reshape(V // 2, 2 * D)
    tum = embed_u_mlp.reshape(V // 2, 2 * D)
    tim = embed_i_mlp.reshape(V // 2, 2 * D)
    r_ug, r_ig, r_um, r_im = _sc_gather4(u2, i2, tug, tig, tum, tim)
    w1u = W1[:D]
    w1i = W1[D:]
    whg = WH[:D].T
    whl = WH[D:].T
    return _tc_dense(r_ug, r_ig, r_um, r_im, up, ip, w1u, w1i,
                     b1.reshape(1, -1), W2, b2.reshape(1, -1),
                     W3, b3.reshape(1, -1), whg, whl, bH.reshape(1, 1))

# --- scband reference (transcript-rebuilt; emitter-appended) ---
"""Pipeline reference for scband-ncf-86973087744141 (READ-ONLY COPY).

The authoritative reference and input builder live on the scoring server;
editing this copy changes nothing except your own understanding.
"""

import jax, jax.numpy as jnp
import numpy as np

N_USER = 1000000
N_ITEM = 1000000
D = 64
H1, H2, H3 = 128, 64, 32
B = 16384

def setup_inputs(seed: int = 0) -> dict:
    key = jax.random.key(seed)
    ks = jax.random.split(key, 16)
    user = jax.random.randint(ks[0], (B,), 0, N_USER, dtype=jnp.int64 if jax.config.jax_enable_x64 else jnp.int32)
    item = jax.random.randint(ks[1], (B,), 0, N_ITEM, dtype=jnp.int64 if jax.config.jax_enable_x64 else jnp.int32)
    embed_u_gmf = jax.random.normal(ks[2], (N_USER, D), dtype=jnp.float32) * 0.01
    embed_i_gmf = jax.random.normal(ks[3], (N_ITEM, D), dtype=jnp.float32) * 0.01
    embed_u_mlp = jax.random.normal(ks[4], (N_USER, D), dtype=jnp.float32) * 0.01
    embed_i_mlp = jax.random.normal(ks[5], (N_ITEM, D), dtype=jnp.float32) * 0.01
    W1 = jax.random.normal(ks[6], (2 * D, H1), dtype=jnp.float32) * 0.01
    b1 = jnp.zeros((H1,), dtype=jnp.float32)
    W2 = jax.random.normal(ks[7], (H1, H2), dtype=jnp.float32) * 0.01
    b2 = jnp.zeros((H2,), dtype=jnp.float32)
    W3 = jax.random.normal(ks[8], (H2, H3), dtype=jnp.float32) * 0.01
    b3 = jnp.zeros((H3,), dtype=jnp.float32)
    WH = jax.random.normal(ks[9], (D + H3, 1), dtype=jnp.float32) * 0.01
    bH = jnp.zeros((1,), dtype=jnp.float32)
    return {"user": user, "item": item,
            "embed_u_gmf": embed_u_gmf, "embed_i_gmf": embed_i_gmf,
            "embed_u_mlp": embed_u_mlp, "embed_i_mlp": embed_i_mlp,
            "W1": W1, "b1": b1, "W2": W2, "b2": b2, "W3": W3, "b3": b3,
            "WH": WH, "bH": bH}

def reference(user, item, embed_u_gmf, embed_i_gmf, embed_u_mlp, embed_i_mlp,
              W1, b1, W2, b2, W3, b3, WH, bH):
    # GMF branch: elementwise product of user/item embeddings
    P_u_gmf = jnp.take(embed_u_gmf, user, axis=0)
    Q_i_gmf = jnp.take(embed_i_gmf, item, axis=0)
    calc_gmf = P_u_gmf * Q_i_gmf
    # MLP branch
    P_u_mlp = jnp.take(embed_u_mlp, user, axis=0)
    Q_i_mlp = jnp.take(embed_i_mlp, item, axis=0)
    Z = jnp.concatenate([P_u_mlp, Q_i_mlp], axis=1)
    L1 = jax.nn.relu(Z @ W1 + b1)
    L2 = jax.nn.relu(L1 @ W2 + b2)
    L3 = jax.nn.relu(L2 @ W3 + b3)
    # Fusion head
    fused = jnp.concatenate([calc_gmf, L3], axis=1)
    out = jax.nn.sigmoid(fused @ WH + bH)
    return out

if __name__ == "__main__":
    import jax
    _d = setup_inputs()
    print(jax.jit(kernel)(*tuple(_d.values())))

</pallas_src>

<mosaic_0001>
#map = affine_map<(d0, d1) -> (0, 0)>
module attributes {stable_mosaic.version = 14 : i64} {
  func.func @k(%arg0: i32, %arg1: i32, %arg2: memref<128x128xi32, #tpu.memory_space<hbm>>, %arg3: memref<128x128xi32, #tpu.memory_space<hbm>>, %arg4: memref<500000x128xf32, #tpu.memory_space<hbm>>, %arg5: memref<500000x128xf32, #tpu.memory_space<hbm>>, %arg6: memref<500000x128xf32, #tpu.memory_space<hbm>>, %arg7: memref<500000x128xf32, #tpu.memory_space<hbm>>, %arg8: memref<16384x128xf32, #tpu.memory_space<hbm>>, %arg9: memref<16384x128xf32, #tpu.memory_space<hbm>>, %arg10: memref<16384x128xf32, #tpu.memory_space<hbm>>, %arg11: memref<16384x128xf32, #tpu.memory_space<hbm>>, %arg12: memref<4x128xi32, #tpu.memory_space<vmem>>, %arg13: memref<4x128xi32, #tpu.memory_space<vmem>>, %arg14: memref<128x128xf32, #tpu.memory_space<vmem>>, %arg15: memref<128x128xf32, #tpu.memory_space<vmem>>, %arg16: memref<!tpu.dma_semaphore, #tpu.memory_space<semaphore_mem>>, %arg17: memref<!tpu.dma_semaphore, #tpu.memory_space<semaphore_mem>>, %arg18: memref<!tpu.dma_semaphore, #tpu.memory_space<semaphore_mem>>, %arg19: memref<!tpu.dma_semaphore, #tpu.memory_space<semaphore_mem>>) attributes {dimension_semantics = [#tpu.dimension_semantics<core_parallel>, #tpu.dimension_semantics<subcore_parallel>], iteration_bounds = array<i64: 2, 16>, scalar_prefetch = 0 : i64, scratch_operands = 8 : i64, tpu.core_type = #tpu.core_type<sc_vector_subcore>, window_params = [{transform_indices = #map}, {transform_indices = #map}, {transform_indices = #map}, {transform_indices = #map}, {transform_indices = #map}, {transform_indices = #map}, {transform_indices = #map}, {transform_indices = #map}, {transform_indices = #map}, {transform_indices = #map}]} {
    %mul3A = arith.constant 2 : i32
    %mul3A_0 = arith.muli %arg1, %mul3A : i32
    %add3A = arith.addi %mul3A_0, %arg0 : i32
    %mul3A_1 = arith.constant 512 : i32
    %mul3A_2 = arith.muli %add3A, %mul3A_1 : i32
    %mul3A_3 = arith.constant 4 : i32
    %mul3A_4 = arith.muli %add3A, %mul3A_3 : i32
    "tpu.region"() ({
      %run_scoped3A = tpu.sem_alloc : memref<!tpu.dma_semaphore, #tpu.memory_space<semaphore_mem>>
      %dma_start3A_389 = arith.constant 0 : i32
      %dma_start3A_390 = tpu.memref_slice %arg2[%mul3A_4, %dma_start3A_389] : memref<128x128xi32, #tpu.memory_space<hbm>> -> memref<4x128xi32, #tpu.memory_space<hbm>>
      %dma_start3A_391 = arith.constant 0 : i32
      %dma_start3A_392 = tpu.memref_slice %arg2[%mul3A_4, %dma_start3A_391] : memref<128x128xi32, #tpu.memory_space<hbm>> -> memref<4x128xi32, #tpu.memory_space<hbm>>
      tpu.enqueue_dma source(%dma_start3A_392 : memref<4x128xi32, #tpu.memory_space<hbm>>) target(%arg12 : memref<4x128xi32, #tpu.memory_space<vmem>>) target_semaphore(%run_scoped3A : memref<!tpu.dma_semaphore, #tpu.memory_space<semaphore_mem>>)
      %dma_wait3A_393 = arith.constant 0 : i32
      %dma_wait3A_394 = tpu.memref_slice %arg2[%mul3A_4, %dma_wait3A_393] : memref<128x128xi32, #tpu.memory_space<hbm>> -> memref<4x128xi32, #tpu.memory_space<hbm>>
      %dma_wait3A_395 = arith.constant 0 : i32
      %dma_wait3A_396 = tpu.memref_slice %arg2[%mul3A_4, %dma_wait3A_395] : memref<128x128xi32, #tpu.memory_space<hbm>> -> memref<4x128xi32, #tpu.memory_space<hbm>>
      tpu.wait_dma2 semaphore(%run_scoped3A : memref<!tpu.dma_semaphore, #tpu.memory_space<semaphore_mem>>) src(%dma_wait3A_396 : memref<4x128xi32, #tpu.memory_space<hbm>>) dst(%arg12 : memref<4x128xi32, #tpu.memory_space<vmem>>)
      tpu.yield
    }) : () -> ()
    %mul3A_5 = arith.constant 4 : i32
    %mul3A_6 = arith.muli %add3A, %mul3A_5 : i32
    "tpu.region"() ({
      %run_scoped3A = tpu.sem_alloc : memref<!tpu.dma_semaphore, #tpu.memory_space<semaphore_mem>>
      %dma_start3A_389 = arith.constant 0 : i32
      %dma_start3A_390 = tpu.memref_slice %arg3[%mul3A_6, %dma_start3A_389] : memref<128x128xi32, #tpu.memory_space<hbm>> -> memref<4x128xi32, #tpu.memory_space<hbm>>
      %dma_start3A_391 = arith.constant 0 : i32
      %dma_start3A_392 = tpu.memref_slice %arg3[%mul3A_6, %dma_start3A_391] : memref<128x128xi32, #tpu.memory_space<hbm>> -> memref<4x128xi32, #tpu.memory_space<hbm>>
      tpu.enqueue_dma source(%dma_start3A_392 : memref<4x128xi32, #tpu.memory_space<hbm>>) target(%arg13 : memref<4x128xi32, #tpu.memory_space<vmem>>) target_semaphore(%run_scoped3A : memref<!tpu.dma_semaphore, #tpu.memory_space<semaphore_mem>>)
      %dma_wait3A_393 = arith.constant 0 : i32
      %dma_wait3A_394 = tpu.memref_slice %arg3[%mul3A_6, %dma_wait3A_393] : memref<128x128xi32, #tpu.memory_space<hbm>> -> memref<4x128xi32, #tpu.memory_space<hbm>>
      %dma_wait3A_395 = arith.constant 0 : i32
      %dma_wait3A_396 = tpu.memref_slice %arg3[%mul3A_6, %dma_wait3A_395] : memref<128x128xi32, #tpu.memory_space<hbm>> -> memref<4x128xi32, #tpu.memory_space<hbm>>
      tpu.wait_dma2 semaphore(%run_scoped3A : memref<!tpu.dma_semaphore, #tpu.memory_space<semaphore_mem>>) src(%dma_wait3A_396 : memref<4x128xi32, #tpu.memory_space<hbm>>) dst(%arg13 : memref<4x128xi32, #tpu.memory_space<vmem>>)
      tpu.yield
    }) : () -> ()
    %dma_start3A = arith.constant 0 : i32
    %dma_start3A_7 = arith.constant 0 : i32
    %dma_start3A_8 = tpu.memref_slice %arg12[%dma_start3A, %dma_start3A_7] : memref<4x128xi32, #tpu.memory_space<vmem>> -> memref<1x128xi32, #tpu.memory_space<vmem>>
    %dma_start3A_9 = tpu.memref_squeeze %dma_start3A_8 : memref<1x128xi32, #tpu.memory_space<vmem>> -> memref<128xi32, #tpu.memory_space<vmem>>
    %dma_start3A_10 = arith.constant 0 : i32
    %dma_start3A_11 = arith.constant 0 : i32
    %dma_start3A_12 = tpu.memref_slice %arg4[%dma_start3A_10, %dma_start3A_11] : memref<500000x128xf32, #tpu.memory_space<hbm>> -> memref<500000x128xf32, #tpu.memory_space<hbm>>
    tpu.enqueue_indirect_dma source(%dma_start3A_12 : memref<500000x128xf32, #tpu.memory_space<hbm>>) target(%arg14 : memref<128x128xf32, #tpu.memory_space<vmem>>) offsets(%dma_start3A_9 : memref<128xi32, #tpu.memory_space<vmem>>) semaphore(%arg16 : memref<!tpu.dma_semaphore, #tpu.memory_space<semaphore_mem>>)
    %dma_start3A_13 = arith.constant 1 : i32
    %dma_start3A_14 = arith.constant 0 : i32
    %dma_start3A_15 = tpu.memref_slice %arg12[%dma_start3A_13, %dma_start3A_14] : memref<4x128xi32, #tpu.memory_space<vmem>> -> memref<1x128xi32, #tpu.memory_space<vmem>>
    %dma_start3A_16 = tpu.memref_squeeze %dma_start3A_15 : memref<1x128xi32, #tpu.memory_space<vmem>> -> memref<128xi32, #tpu.memory_space<vmem>>
    %dma_start3A_17 = arith.constant 0 : i32
    %dma_start3A_18 = arith.constant 0 : i32
    %dma_start3A_19 = tpu.memref_slice %arg4[%dma_start3A_17, %dma_start3A_18] : memref<500000x128xf32, #tpu.memory_space<hbm>> -> memref<500000x128xf32, #tpu.memory_space<hbm>>
    tpu.enqueue_indirect_dma source(%dma_start3A_19 : memref<500000x128xf32, #tpu.memory_space<hbm>>) target(%arg15 : memref<128x128xf32, #tpu.memory_space<vmem>>) offsets(%dma_start3A_16 : memref<128xi32, #tpu.memory_space<vmem>>) semaphore(%arg17 : memref<!tpu.dma_semaphore, #tpu.memory_space<semaphore_mem>>)
    %dma_wait3A = arith.constant 0 : i32
    %dma_wait3A_20 = arith.constant 0 : i32
    %dma_wait3A_21 = tpu.memref_slice %arg12[%dma_wait3A, %dma_wait3A_20] : memref<4x128xi32, #tpu.memory_space<vmem>> -> memref<1x128xi32, #tpu.memory_space<vmem>>
    %dma_wait3A_22 = tpu.memref_squeeze %dma_wait3A_21 : memref<1x128xi32, #tpu.memory_space<vmem>> -> memref<128xi32, #tpu.memory_space<vmem>>
    %dma_wait3A_23 = arith.constant 0 : i32
    %dma_wait3A_24 = arith.constant 0 : i32
    %dma_wait3A_25 = tpu.memref_slice %arg4[%dma_wait3A_23, %dma_wait3A_24] : memref<500000x128xf32, #tpu.memory_space<hbm>> -> memref<500000x128xf32, #tpu.memory_space<hbm>>
    tpu.wait_indirect_dma semaphore(%arg16 : memref<!tpu.dma_semaphore, #tpu.memory_space<semaphore_mem>>) src(%dma_wait3A_25 : memref<500000x128xf32, #tpu.memory_space<hbm>>) dst(%arg14 : memref<128x128xf32, #tpu.memory_space<vmem>>)
    %add3A_26 = arith.constant 0 : i32
    %add3A_27 = arith.addi %mul3A_2, %add3A_26 : i32
    %dma_start3A_28 = arith.constant 0 : i32
    %dma_start3A_29 = tpu.memref_slice %arg8[%add3A_27, %dma_start3A_28] : memref<16384x128xf32, #tpu.memory_space<hbm>> -> memref<128x128xf32, #tpu.memory_space<hbm>>
    %dma_start3A_30 = arith.constant 0 : i32
    %dma_start3A_31 = tpu.memref_slice %arg8[%add3A_27, %dma_start3A_30] : memref<16384x128xf32, #tpu.memory_space<hbm>> -> memref<128x128xf32, #tpu.memory_space<hbm>>
    tpu.enqueue_dma source(%arg14 : memref<128x128xf32, #tpu.memory_space<vmem>>) target(%dma_start3A_31 : memref<128x128xf32, #tpu.memory_space<hbm>>) target_semaphore(%arg18 : memref<!tpu.dma_semaphore, #tpu.memory_space<semaphore_mem>>)
    %dma_wait3A_32 = arith.constant 0 : i32
    %dma_wait3A_33 = tpu.memref_slice %arg8[%add3A_27, %dma_wait3A_32] : memref<16384x128xf32, #tpu.memory_space<hbm>> -> memref<128x128xf32, #tpu.memory_space<hbm>>
    %dma_wait3A_34 = arith.constant 0 : i32
    %dma_wait3A_35 = tpu.memref_slice %arg8[%add3A_27, %dma_wait3A_34] : memref<16384x128xf32, #tpu.memory_space<hbm>> -> memref<128x128xf32, #tpu.memory_space<hbm>>
    tpu.wait_dma2 semaphore(%arg18 : memref<!tpu.dma_semaphore, #tpu.memory_space<semaphore_mem>>) src(%arg14 : memref<128x128xf32, #tpu.memory_space<vmem>>) dst(%dma_wait3A_35 : memref<128x128xf32, #tpu.memory_space<hbm>>)
    %dma_start3A_36 = arith.constant 2 : i32
    %dma_start3A_37 = arith.constant 0 : i32
    %dma_start3A_38 = tpu.memref_slice %arg12[%dma_start3A_36, %dma_start3A_37] : memref<4x128xi32, #tpu.memory_space<vmem>> -> memref<1x128xi32, #tpu.memory_space<vmem>>
    %dma_start3A_39 = tpu.memref_squeeze %dma_start3A_38 : memref<1x128xi32, #tpu.memory_space<vmem>> -> memref<128xi32, #tpu.memory_space<vmem>>
    %dma_start3A_40 = arith.constant 0 : i32
    %dma_start3A_41 = arith.constant 0 : i32
    %dma_start3A_42 = tpu.memref_slice %arg4[%dma_start3A_40, %dma_start3A_41] : memref<500000x128xf32, #tpu.memory_space<hbm>> -> memref<500000x128xf32, #tpu.memory_space<hbm>>
    tpu.enqueue_indirect_dma source(%dma_start3A_42 : memref<500000x128xf32, #tpu.memory_space<hbm>>) target(%arg14 : memref<128x128xf32, #tpu.memory_space<vmem>>) offsets(%dma_start3A_39 : memref<128xi32, #tpu.memory_space<vmem>>) semaphore(%arg16 : memref<!tpu.dma_semaphore, #tpu.memory_space<semaphore_mem>>)
    %dma_wait3A_43 = arith.constant 1 : i32
    %dma_wait3A_44 = arith.constant 0 : i32
    %dma_wait3A_45 = tpu.memref_slice %arg12[%dma_wait3A_43, %dma_wait3A_44] : memref<4x128xi32, #tpu.memory_space<vmem>> -> memref<1x128xi32, #tpu.memory_space<vmem>>
    %dma_wait3A_46 = tpu.memref_squeeze %dma_wait3A_45 : memref<1x128xi32, #tpu.memory_space<vmem>> -> memref<128xi32, #tpu.memory_space<vmem>>
    %dma_wait3A_47 = arith.constant 0 : i32
    %dma_wait3A_48 = arith.constant 0 : i32
    %dma_wait3A_49 = tpu.memref_slice %arg4[%dma_wait3A_47, %dma_wait3A_48] : memref<500000x128xf32, #tpu.memory_space<hbm>> -> memref<500000x128xf32, #tpu.memory_space<hbm>>
    tpu.wait_indirect_dma semaphore(%arg17 : memref<!tpu.dma_semaphore, #tpu.memory_space<semaphore_mem>>) src(%dma_wait3A_49 : memref<500000x128xf32, #tpu.memory_space<hbm>>) dst(%arg15 : memref<128x128xf32, #tpu.memory_space<vmem>>)
    %add3A_50 = arith.constant 128 : i32
    %add3A_51 = arith.addi %mul3A_2, %add3A_50 : i32
    %dma_start3A_52 = arith.constant 0 : i32
    %dma_start3A_53 = tpu.memref_slice %arg8[%add3A_51, %dma_start3A_52] : memref<16384x128xf32, #tpu.memory_space<hbm>> -> memref<128x128xf32, #tpu.memory_space<hbm>>
    %dma_start3A_54 = arith.constant 0 : i32
    %dma_start3A_55 = tpu.memref_slice %arg8[%add3A_51, %dma_start3A_54] : memref<16384x128xf32, #tpu.memory_space<hbm>> -> memref<128x128xf32, #tpu.memory_space<hbm>>
    tpu.enqueue_dma source(%arg15 : memref<128x128xf32, #tpu.memory_space<vmem>>) target(%dma_start3A_55 : memref<128x128xf32, #tpu.memory_space<hbm>>) target_semaphore(%arg19 : memref<!tpu.dma_semaphore, #tpu.memory_space<semaphore_mem>>)
    %dma_wait3A_56 = arith.constant 0 : i32
    %dma_wait3A_57 = tpu.memref_slice %arg8[%add3A_51, %dma_wait3A_56] : memref<16384x128xf32, #tpu.memory_space<hbm>> -> memref<128x128xf32, #tpu.memory_space<hbm>>
    %dma_wait3A_58 = arith.constant 0 : i32
    %dma_wait3A_59 = tpu.memref_slice %arg8[%add3A_51, %dma_wait3A_58] : memref<16384x128xf32, #tpu.memory_space<hbm>> -> memref<128x128xf32, #tpu.memory_space<hbm>>
    tpu.wait_dma2 semaphore(%arg19 : memref<!tpu.dma_semaphore, #tpu.memory_space<semaphore_mem>>) src(%arg15 : memref<128x128xf32, #tpu.memory_space<vmem>>) dst(%dma_wait3A_59 : memref<128x128xf32, #tpu.memory_space<hbm>>)
    %dma_start3A_60 = arith.constant 3 : i32
    %dma_start3A_61 = arith.constant 0 : i32
    %dma_start3A_62 = tpu.memref_slice %arg12[%dma_start3A_60, %dma_start3A_61] : memref<4x128xi32, #tpu.memory_space<vmem>> -> memref<1x128xi32, #tpu.memory_space<vmem>>
    %dma_start3A_63 = tpu.memref_squeeze %dma_start3A_62 : memref<1x128xi32, #tpu.memory_space<vmem>> -> memref<128xi32, #tpu.memory_space<vmem>>
    %dma_start3A_64 = arith.constant 0 : i32
    %dma_start3A_65 = arith.constant 0 : i32
    %dma_start3A_66 = tpu.memref_slice %arg4[%dma_start3A_64, %dma_start3A_65] : memref<500000x128xf32, #tpu.memory_space<hbm>> -> memref<500000x128xf32, #tpu.memory_space<hbm>>
    tpu.enqueue_indirect_dma source(%dma_start3A_66 : memref<500000x128xf32, #tpu.memory_space<hbm>>) target(%arg15 : memref<128x128xf32, #tpu.memory_space<vmem>>) offsets(%dma_start3A_63 : memref<128xi32, #tpu.memory_space<vmem>>) semaphore(%arg17 : memref<!tpu.dma_semaphore, #tpu.memory_space<semaphore_mem>>)
    %dma_wait3A_67 = arith.constant 2 : i32
    %dma_wait3A_68 = arith.constant 0 : i32
    %dma_wait3A_69 = tpu.memref_slice %arg12[%dma_wait3A_67, %dma_wait3A_68] : memref<4x128xi32, #tpu.memory_space<vmem>> -> memref<1x128xi32, #tpu.memory_space<vmem>>
    %dma_wait3A_70 = tpu.memref_squeeze %dma_wait3A_69 : memref<1x128xi32, #tpu.memory_space<vmem>> -> memref<128xi32, #tpu.memory_space<vmem>>
    %dma_wait3A_71 = arith.constant 0 : i32
    %dma_wait3A_72 = arith.constant 0 : i32
    %dma_wait3A_73 = tpu.memref_slice %arg4[%dma_wait3A_71, %dma_wait3A_72] : memref<500000x128xf32, #tpu.memory_space<hbm>> -> memref<500000x128xf32, #tpu.memory_space<hbm>>
    tpu.wait_indirect_dma semaphore(%arg16 : memref<!tpu.dma_semaphore, #tpu.memory_space<semaphore_mem>>) src(%dma_wait3A_73 : memref<500000x128xf32, #tpu.memory_space<hbm>>) dst(%arg14 : memref<128x128xf32, #tpu.memory_space<vmem>>)
    %add3A_74 = arith.constant 256 : i32
    %add3A_75 = arith.addi %mul3A_2, %add3A_74 : i32
    %dma_start3A_76 = arith.constant 0 : i32
    %dma_start3A_77 = tpu.memref_slice %arg8[%add3A_75, %dma_start3A_76] : memref<16384x128xf32, #tpu.memory_space<hbm>> -> memref<128x128xf32, #tpu.memory_space<hbm>>
    %dma_start3A_78 = arith.constant 0 : i32
    %dma_start3A_79 = tpu.memref_slice %arg8[%add3A_75, %dma_start3A_78] : memref<16384x128xf32, #tpu.memory_space<hbm>> -> memref<128x128xf32, #tpu.memory_space<hbm>>
    tpu.enqueue_dma source(%arg14 : memref<128x128xf32, #tpu.memory_space<vmem>>) target(%dma_start3A_79 : memref<128x128xf32, #tpu.memory_space<hbm>>) target_semaphore(%arg18 : memref<!tpu.dma_semaphore, #tpu.memory_space<semaphore_mem>>)
    %dma_wait3A_80 = arith.constant 0 : i32
    %dma_wait3A_81 = tpu.memref_slice %arg8[%add3A_75, %dma_wait3A_80] : memref<16384x128xf32, #tpu.memory_space<hbm>> -> memref<128x128xf32, #tpu.memory_space<hbm>>
    %dma_wait3A_82 = arith.constant 0 : i32
    %dma_wait3A_83 = tpu.memref_slice %arg8[%add3A_75, %dma_wait3A_82] : memref<16384x128xf32, #tpu.memory_space<hbm>> -> memref<128x128xf32, #tpu.memory_space<hbm>>
    tpu.wait_dma2 semaphore(%arg18 : memref<!tpu.dma_semaphore, #tpu.memory_space<semaphore_mem>>) src(%arg14 : memref<128x128xf32, #tpu.memory_space<vmem>>) dst(%dma_wait3A_83 : memref<128x128xf32, #tpu.memory_space<hbm>>)
    %dma_start3A_84 = arith.constant 0 : i32
    %dma_start3A_85 = arith.constant 0 : i32
    %dma_start3A_86 = tpu.memref_slice %arg12[%dma_start3A_84, %dma_start3A_85] : memref<4x128xi32, #tpu.memory_space<vmem>> -> memref<1x128xi32, #tpu.memory_space<vmem>>
    %dma_start3A_87 = tpu.memref_squeeze %dma_start3A_86 : memref<1x128xi32, #tpu.memory_space<vmem>> -> memref<128xi32, #tpu.memory_space<vmem>>
    %dma_start3A_88 = arith.constant 0 : i32
    %dma_start3A_89 = arith.constant 0 : i32
    %dma_start3A_90 = tpu.memref_slice %arg6[%dma_start3A_88, %dma_start3A_89] : memref<500000x128xf32, #tpu.memory_space<hbm>> -> memref<500000x128xf32, #tpu.memory_space<hbm>>
    tpu.enqueue_indirect_dma source(%dma_start3A_90 : memref<500000x128xf32, #tpu.memory_space<hbm>>) target(%arg14 : memref<128x128xf32, #tpu.memory_space<vmem>>) offsets(%dma_start3A_87 : memref<128xi32, #tpu.memory_space<vmem>>) semaphore(%arg16 : memref<!tpu.dma_semaphore, #tpu.memory_space<semaphore_mem>>)
    %dma_wait3A_91 = arith.constant 3 : i32
    %dma_wait3A_92 = arith.constant 0 : i32
    %dma_wait3A_93 = tpu.memref_slice %arg12[%dma_wait3A_91, %dma_wait3A_92] : memref<4x128xi32, #tpu.memory_space<vmem>> -> memref<1x128xi32, #tpu.memory_space<vmem>>
    %dma_wait3A_94 = tpu.memref_squeeze %dma_wait3A_93 : memref<1x128xi32, #tpu.memory_space<vmem>> -> memref<128xi32, #tpu.memory_space<vmem>>
    %dma_wait3A_95 = arith.constant 0 : i32
    %dma_wait3A_96 = arith.constant 0 : i32
    %dma_wait3A_97 = tpu.memref_slice %arg4[%dma_wait3A_95, %dma_wait3A_96] : memref<500000x128xf32, #tpu.memory_space<hbm>> -> memref<500000x128xf32, #tpu.memory_space<hbm>>
    tpu.wait_indirect_dma semaphore(%arg17 : memref<!tpu.dma_semaphore, #tpu.memory_space<semaphore_mem>>) src(%dma_wait3A_97 : memref<500000x128xf32, #tpu.memory_space<hbm>>) dst(%arg15 : memref<128x128xf32, #tpu.memory_space<vmem>>)
    %add3A_98 = arith.constant 384 : i32
    %add3A_99 = arith.addi %mul3A_2, %add3A_98 : i32
    %dma_start3A_100 = arith.constant 0 : i32
    %dma_start3A_101 = tpu.memref_slice %arg8[%add3A_99, %dma_start3A_100] : memref<16384x128xf32, #tpu.memory_space<hbm>> -> memref<128x128xf32, #tpu.memory_space<hbm>>
    %dma_start3A_102 = arith.constant 0 : i32
    %dma_start3A_103 = tpu.memref_slice %arg8[%add3A_99, %dma_start3A_102] : memref<16384x128xf32, #tpu.memory_space<hbm>> -> memref<128x128xf32, #tpu.memory_space<hbm>>
    tpu.enqueue_dma source(%arg15 : memref<128x128xf32, #tpu.memory_space<vmem>>) target(%dma_start3A_103 : memref<128x128xf32, #tpu.memory_space<hbm>>) target_semaphore(%arg19 : memref<!tpu.dma_semaphore, #tpu.memory_space<semaphore_mem>>)
    %dma_wait3A_104 = arith.constant 0 : i32
    %dma_wait3A_105 = tpu.memref_slice %arg8[%add3A_99, %dma_wait3A_104] : memref<16384x128xf32, #tpu.memory_space<hbm>> -> memref<128x128xf32, #tpu.memory_space<hbm>>
    %dma_wait3A_106 = arith.constant 0 : i32
    %dma_wait3A_107 = tpu.memref_slice %arg8[%add3A_99, %dma_wait3A_106] : memref<16384x128xf32, #tpu.memory_space<hbm>> -> memref<128x128xf32, #tpu.memory_space<hbm>>
    tpu.wait_dma2 semaphore(%arg19 : memref<!tpu.dma_semaphore, #tpu.memory_space<semaphore_mem>>) src(%arg15 : memref<128x128xf32, #tpu.memory_space<vmem>>) dst(%dma_wait3A_107 : memref<128x128xf32, #tpu.memory_space<hbm>>)
    %dma_start3A_108 = arith.constant 1 : i32
    %dma_start3A_109 = arith.constant 0 : i32
    %dma_start3A_110 = tpu.memref_slice %arg12[%dma_start3A_108, %dma_start3A_109] : memref<4x128xi32, #tpu.memory_space<vmem>> -> memref<1x128xi32, #tpu.memory_space<vmem>>
    %dma_start3A_111 = tpu.memref_squeeze %dma_start3A_110 : memref<1x128xi32, #tpu.memory_space<vmem>> -> memref<128xi32, #tpu.memory_space<vmem>>
    %dma_start3A_112 = arith.constant 0 : i32
    %dma_start3A_113 = arith.constant 0 : i32
    %dma_start3A_114 = tpu.memref_slice %arg6[%dma_start3A_112, %dma_start3A_113] : memref<500000x128xf32, #tpu.memory_space<hbm>> -> memref<500000x128xf32, #tpu.memory_space<hbm>>
    tpu.enqueue_indirect_dma source(%dma_start3A_114 : memref<500000x128xf32, #tpu.memory_space<hbm>>) target(%arg15 : memref<128x128xf32, #tpu.memory_space<vmem>>) offsets(%dma_start3A_111 : memref<128xi32, #tpu.memory_space<vmem>>) semaphore(%arg17 : memref<!tpu.dma_semaphore, #tpu.memory_space<semaphore_mem>>)
    %dma_wait3A_115 = arith.constant 0 : i32
    %dma_wait3A_116 = arith.constant 0 : i32
    %dma_wait3A_117 = tpu.memref_slice %arg12[%dma_wait3A_115, %dma_wait3A_116] : memref<4x128xi32, #tpu.memory_space<vmem>> -> memref<1x128xi32, #tpu.memory_space<vmem>>
    %dma_wait3A_118 = tpu.memref_squeeze %dma_wait3A_117 : memref<1x128xi32, #tpu.memory_space<vmem>> -> memref<128xi32, #tpu.memory_space<vmem>>
    %dma_wait3A_119 = arith.constant 0 : i32
    %dma_wait3A_120 = arith.constant 0 : i32
    %dma_wait3A_121 = tpu.memref_slice %arg6[%dma_wait3A_119, %dma_wait3A_120] : memref<500000x128xf32, #tpu.memory_space<hbm>> -> memref<500000x128xf32, #tpu.memory_space<hbm>>
    tpu.wait_indirect_dma semaphore(%arg16 : memref<!tpu.dma_semaphore, #tpu.memory_space<semaphore_mem>>) src(%dma_wait3A_121 : memref<500000x128xf32, #tpu.memory_space<hbm>>) dst(%arg14 : memref<128x128xf32, #tpu.memory_space<vmem>>)
    %add3A_122 = arith.constant 0 : i32
    %add3A_123 = arith.addi %mul3A_2, %add3A_122 : i32
    %dma_start3A_124 = arith.constant 0 : i32
    %dma_start3A_125 = tpu.memref_slice %arg10[%add3A_123, %dma_start3A_124] : memref<16384x128xf32, #tpu.memory_space<hbm>> -> memref<128x128xf32, #tpu.memory_space<hbm>>
    %dma_start3A_126 = arith.constant 0 : i32
    %dma_start3A_127 = tpu.memref_slice %arg10[%add3A_123, %dma_start3A_126] : memref<16384x128xf32, #tpu.memory_space<hbm>> -> memref<128x128xf32, #tpu.memory_space<hbm>>
    tpu.enqueue_dma source(%arg14 : memref<128x128xf32, #tpu.memory_space<vmem>>) target(%dma_start3A_127 : memref<128x128xf32, #tpu.memory_space<hbm>>) target_semaphore(%arg18 : memref<!tpu.dma_semaphore, #tpu.memory_space<semaphore_mem>>)
    %dma_wait3A_128 = arith.constant 0 : i32
    %dma_wait3A_129 = tpu.memref_slice %arg10[%add3A_123, %dma_wait3A_128] : memref<16384x128xf32, #tpu.memory_space<hbm>> -> memref<128x128xf32, #tpu.memory_space<hbm>>
    %dma_wait3A_130 = arith.constant 0 : i32
    %dma_wait3A_131 = tpu.memref_slice %arg10[%add3A_123, %dma_wait3A_130] : memref<16384x128xf32, #tpu.memory_space<hbm>> -> memref<128x128xf32, #tpu.memory_space<hbm>>
    tpu.wait_dma2 semaphore(%arg18 : memref<!tpu.dma_semaphore, #tpu.memory_space<semaphore_mem>>) src(%arg14 : memref<128x128xf32, #tpu.memory_space<vmem>>) dst(%dma_wait3A_131 : memref<128x128xf32, #tpu.memory_space<hbm>>)
    %dma_start3A_132 = arith.constant 2 : i32
    %dma_start3A_133 = arith.constant 0 : i32
    %dma_start3A_134 = tpu.memref_slice %arg12[%dma_start3A_132, %dma_start3A_133] : memref<4x128xi32, #tpu.memory_space<vmem>> -> memref<1x128xi32, #tpu.memory_space<vmem>>
    %dma_start3A_135 = tpu.memref_squeeze %dma_start3A_134 : memref<1x128xi32, #tpu.memory_space<vmem>> -> memref<128xi32, #tpu.memory_space<vmem>>
    %dma_start3A_136 = arith.constant 0 : i32
    %dma_start3A_137 = arith.constant 0 : i32
    %dma_start3A_138 = tpu.memref_slice %arg6[%dma_start3A_136, %dma_start3A_137] : memref<500000x128xf32, #tpu.memory_space<hbm>> -> memref<500000x128xf32, #tpu.memory_space<hbm>>
    tpu.enqueue_indirect_dma source(%dma_start3A_138 : memref<500000x128xf32, #tpu.memory_space<hbm>>) target(%arg14 : memref<128x128xf32, #tpu.memory_space<vmem>>) offsets(%dma_start3A_135 : memref<128xi32, #tpu.memory_space<vmem>>) semaphore(%arg16 : memref<!tpu.dma_semaphore, #tpu.memory_space<semaphore_mem>>)
    %dma_wait3A_139 = arith.constant 1 : i32
    %dma_wait3A_140 = arith.constant 0 : i32
    %dma_wait3A_141 = tpu.memref_slice %arg12[%dma_wait3A_139, %dma_wait3A_140] : memref<4x128xi32, #tpu.memory_space<vmem>> -> memref<1x128xi32, #tpu.memory_space<vmem>>
    %dma_wait3A_142 = tpu.memref_squeeze %dma_wait3A_141 : memref<1x128xi32, #tpu.memory_space<vmem>> -> memref<128xi32, #tpu.memory_space<vmem>>
    %dma_wait3A_143 = arith.constant 0 : i32
    %dma_wait3A_144 = arith.constant 0 : i32
    %dma_wait3A_145 = tpu.memref_slice %arg6[%dma_wait3A_143, %dma_wait3A_144] : memref<500000x128xf32, #tpu.memory_space<hbm>> -> memref<500000x128xf32, #tpu.memory_space<hbm>>
    tpu.wait_indirect_dma semaphore(%arg17 : memref<!tpu.dma_semaphore, #tpu.memory_space<semaphore_mem>>) src(%dma_wait3A_145 : memref<500000x128xf32, #tpu.memory_space<hbm>>) dst(%arg15 : memref<128x128xf32, #tpu.memory_space<vmem>>)
    %add3A_146 = arith.constant 128 : i32
    %add3A_147 = arith.addi %mul3A_2, %add3A_146 : i32
    %dma_start3A_148 = arith.constant 0 : i32
    %dma_start3A_149 = tpu.memref_slice %arg10[%add3A_147, %dma_start3A_148] : memref<16384x128xf32, #tpu.memory_space<hbm>> -> memref<128x128xf32, #tpu.memory_space<hbm>>
    %dma_start3A_150 = arith.constant 0 : i32
    %dma_start3A_151 = tpu.memref_slice %arg10[%add3A_147, %dma_start3A_150] : memref<16384x128xf32, #tpu.memory_space<hbm>> -> memref<128x128xf32, #tpu.memory_space<hbm>>
    tpu.enqueue_dma source(%arg15 : memref<128x128xf32, #tpu.memory_space<vmem>>) target(%dma_start3A_151 : memref<128x128xf32, #tpu.memory_space<hbm>>) target_semaphore(%arg19 : memref<!tpu.dma_semaphore, #tpu.memory_space<semaphore_mem>>)
    %dma_wait3A_152 = arith.constant 0 : i32
    %dma_wait3A_153 = tpu.memref_slice %arg10[%add3A_147, %dma_wait3A_152] : memref<16384x128xf32, #tpu.memory_space<hbm>> -> memref<128x128xf32, #tpu.memory_space<hbm>>
    %dma_wait3A_154 = arith.constant 0 : i32
    %dma_wait3A_155 = tpu.memref_slice %arg10[%add3A_147, %dma_wait3A_154] : memref<16384x128xf32, #tpu.memory_space<hbm>> -> memref<128x128xf32, #tpu.memory_space<hbm>>
    tpu.wait_dma2 semaphore(%arg19 : memref<!tpu.dma_semaphore, #tpu.memory_space<semaphore_mem>>) src(%arg15 : memref<128x128xf32, #tpu.memory_space<vmem>>) dst(%dma_wait3A_155 : memref<128x128xf32, #tpu.memory_space<hbm>>)
    %dma_start3A_156 = arith.constant 3 : i32
    %dma_start3A_157 = arith.constant 0 : i32
    %dma_start3A_158 = tpu.memref_slice %arg12[%dma_start3A_156, %dma_start3A_157] : memref<4x128xi32, #tpu.memory_space<vmem>> -> memref<1x128xi32, #tpu.memory_space<vmem>>
    %dma_start3A_159 = tpu.memref_squeeze %dma_start3A_158 : memref<1x128xi32, #tpu.memory_space<vmem>> -> memref<128xi32, #tpu.memory_space<vmem>>
    %dma_start3A_160 = arith.constant 0 : i32
    %dma_start3A_161 = arith.constant 0 : i32
    %dma_start3A_162 = tpu.memref_slice %arg6[%dma_start3A_160, %dma_start3A_161] : memref<500000x128xf32, #tpu.memory_space<hbm>> -> memref<500000x128xf32, #tpu.memory_space<hbm>>
    tpu.enqueue_indirect_dma source(%dma_start3A_162 : memref<500000x128xf32, #tpu.memory_space<hbm>>) target(%arg15 : memref<128x128xf32, #tpu.memory_space<vmem>>) offsets(%dma_start3A_159 : memref<128xi32, #tpu.memory_space<vmem>>) semaphore(%arg17 : memref<!tpu.dma_semaphore, #tpu.memory_space<semaphore_mem>>)
    %dma_wait3A_163 = arith.constant 2 : i32
    %dma_wait3A_164 = arith.constant 0 : i32
    %dma_wait3A_165 = tpu.memref_slice %arg12[%dma_wait3A_163, %dma_wait3A_164] : memref<4x128xi32, #tpu.memory_space<vmem>> -> memref<1x128xi32, #tpu.memory_space<vmem>>
    %dma_wait3A_166 = tpu.memref_squeeze %dma_wait3A_165 : memref<1x128xi32, #tpu.memory_space<vmem>> -> memref<128xi32, #tpu.memory_space<vmem>>
    %dma_wait3A_167 = arith.constant 0 : i32
    %dma_wait3A_168 = arith.constant 0 : i32
    %dma_wait3A_169 = tpu.memref_slice %arg6[%dma_wait3A_167, %dma_wait3A_168] : memref<500000x128xf32, #tpu.memory_space<hbm>> -> memref<500000x128xf32, #tpu.memory_space<hbm>>
    tpu.wait_indirect_dma semaphore(%arg16 : memref<!tpu.dma_semaphore, #tpu.memory_space<semaphore_mem>>) src(%dma_wait3A_169 : memref<500000x128xf32, #tpu.memory_space<hbm>>) dst(%arg14 : memref<128x128xf32, #tpu.memory_space<vmem>>)
    %add3A_170 = arith.constant 256 : i32
    %add3A_171 = arith.addi %mul3A_2, %add3A_170 : i32
    %dma_start3A_172 = arith.constant 0 : i32
    %dma_start3A_173 = tpu.memref_slice %arg10[%add3A_171, %dma_start3A_172] : memref<16384x128xf32, #tpu.memory_space<hbm>> -> memref<128x128xf32, #tpu.memory_space<hbm>>
    %dma_start3A_174 = arith.constant 0 : i32
    %dma_start3A_175 = tpu.memref_slice %arg10[%add3A_171, %dma_start3A_174] : memref<16384x128xf32, #tpu.memory_space<hbm>> -> memref<128x128xf32, #tpu.memory_space<hbm>>
    tpu.enqueue_dma source(%arg14 : memref<128x128xf32, #tpu.memory_space<vmem>>) target(%dma_start3A_175 : memref<128x128xf32, #tpu.memory_space<hbm>>) target_semaphore(%arg18 : memref<!tpu.dma_semaphore, #tpu.memory_space<semaphore_mem>>)
    %dma_wait3A_176 = arith.constant 0 : i32
    %dma_wait3A_177 = tpu.memref_slice %arg10[%add3A_171, %dma_wait3A_176] : memref<16384x128xf32, #tpu.memory_space<hbm>> -> memref<128x128xf32, #tpu.memory_space<hbm>>
    %dma_wait3A_178 = arith.constant 0 : i32
    %dma_wait3A_179 = tpu.memref_slice %arg10[%add3A_171, %dma_wait3A_178] : memref<16384x128xf32, #tpu.memory_space<hbm>> -> memref<128x128xf32, #tpu.memory_space<hbm>>
    tpu.wait_dma2 semaphore(%arg18 : memref<!tpu.dma_semaphore, #tpu.memory_space<semaphore_mem>>) src(%arg14 : memref<128x128xf32, #tpu.memory_space<vmem>>) dst(%dma_wait3A_179 : memref<128x128xf32, #tpu.memory_space<hbm>>)
    %dma_start3A_180 = arith.constant 0 : i32
    %dma_start3A_181 = arith.constant 0 : i32
    %dma_start3A_182 = tpu.memref_slice %arg13[%dma_start3A_180, %dma_start3A_181] : memref<4x128xi32, #tpu.memory_space<vmem>> -> memref<1x128xi32, #tpu.memory_space<vmem>>
    %dma_start3A_183 = tpu.memref_squeeze %dma_start3A_182 : memref<1x128xi32, #tpu.memory_space<vmem>> -> memref<128xi32, #tpu.memory_space<vmem>>
    %dma_start3A_184 = arith.constant 0 : i32
    %dma_start3A_185 = arith.constant 0 : i32
    %dma_start3A_186 = tpu.memref_slice %arg5[%dma_start3A_184, %dma_start3A_185] : memref<500000x128xf32, #tpu.memory_space<hbm>> -> memref<500000x128xf32, #tpu.memory_space<hbm>>
    tpu.enqueue_indirect_dma source(%dma_start3A_186 : memref<500000x128xf32, #tpu.memory_space<hbm>>) target(%arg14 : memref<128x128xf32, #tpu.memory_space<vmem>>) offsets(%dma_start3A_183 : memref<128xi32, #tpu.memory_space<vmem>>) semaphore(%arg16 : memref<!tpu.dma_semaphore, #tpu.memory_space<semaphore_mem>>)
    %dma_wait3A_187 = arith.constant 3 : i32
    %dma_wait3A_188 = arith.constant 0 : i32
    %dma_wait3A_189 = tpu.memref_slice %arg12[%dma_wait3A_187, %dma_wait3A_188] : memref<4x128xi32, #tpu.memory_space<vmem>> -> memref<1x128xi32, #tpu.memory_space<vmem>>
    %dma_wait3A_190 = tpu.memref_squeeze %dma_wait3A_189 : memref<1x128xi32, #tpu.memory_space<vmem>> -> memref<128xi32, #tpu.memory_space<vmem>>
    %dma_wait3A_191 = arith.constant 0 : i32
    %dma_wait3A_192 = arith.constant 0 : i32
    %dma_wait3A_193 = tpu.memref_slice %arg6[%dma_wait3A_191, %dma_wait3A_192] : memref<500000x128xf32, #tpu.memory_space<hbm>> -> memref<500000x128xf32, #tpu.memory_space<hbm>>
    tpu.wait_indirect_dma semaphore(%arg17 : memref<!tpu.dma_semaphore, #tpu.memory_space<semaphore_mem>>) src(%dma_wait3A_193 : memref<500000x128xf32, #tpu.memory_space<hbm>>) dst(%arg15 : memref<128x128xf32, #tpu.memory_space<vmem>>)
    %add3A_194 = arith.constant 384 : i32
    %add3A_195 = arith.addi %mul3A_2, %add3A_194 : i32
    %dma_start3A_196 = arith.constant 0 : i32
    %dma_start3A_197 = tpu.memref_slice %arg10[%add3A_195, %dma_start3A_196] : memref<16384x128xf32, #tpu.memory_space<hbm>> -> memref<128x128xf32, #tpu.memory_space<hbm>>
    %dma_start3A_198 = arith.constant 0 : i32
    %dma_start3A_199 = tpu.memref_slice %arg10[%add3A_195, %dma_start3A_198] : memref<16384x128xf32, #tpu.memory_space<hbm>> -> memref<128x128xf32, #tpu.memory_space<hbm>>
    tpu.enqueue_dma source(%arg15 : memref<128x128xf32, #tpu.memory_space<vmem>>) target(%dma_start3A_199 : memref<128x128xf32, #tpu.memory_space<hbm>>) target_semaphore(%arg19 : memref<!tpu.dma_semaphore, #tpu.memory_space<semaphore_mem>>)
    %dma_wait3A_200 = arith.constant 0 : i32
    %dma_wait3A_201 = tpu.memref_slice %arg10[%add3A_195, %dma_wait3A_200] : memref<16384x128xf32, #tpu.memory_space<hbm>> -> memref<128x128xf32, #tpu.memory_space<hbm>>
    %dma_wait3A_202 = arith.constant 0 : i32
    %dma_wait3A_203 = tpu.memref_slice %arg10[%add3A_195, %dma_wait3A_202] : memref<16384x128xf32, #tpu.memory_space<hbm>> -> memref<128x128xf32, #tpu.memory_space<hbm>>
    tpu.wait_dma2 semaphore(%arg19 : memref<!tpu.dma_semaphore, #tpu.memory_space<semaphore_mem>>) src(%arg15 : memref<128x128xf32, #tpu.memory_space<vmem>>) dst(%dma_wait3A_203 : memref<128x128xf32, #tpu.memory_space<hbm>>)
    %dma_start3A_204 = arith.constant 1 : i32
    %dma_start3A_205 = arith.constant 0 : i32
    %dma_start3A_206 = tpu.memref_slice %arg13[%dma_start3A_204, %dma_start3A_205] : memref<4x128xi32, #tpu.memory_space<vmem>> -> memref<1x128xi32, #tpu.memory_space<vmem>>
    %dma_start3A_207 = tpu.memref_squeeze %dma_start3A_206 : memref<1x128xi32, #tpu.memory_space<vmem>> -> memref<128xi32, #tpu.memory_space<vmem>>
    %dma_start3A_208 = arith.constant 0 : i32
    %dma_start3A_209 = arith.constant 0 : i32
    %dma_start3A_210 = tpu.memref_slice %arg5[%dma_start3A_208, %dma_start3A_209] : memref<500000x128xf32, #tpu.memory_space<hbm>> -> memref<500000x128xf32, #tpu.memory_space<hbm>>
    tpu.enqueue_indirect_dma source(%dma_start3A_210 : memref<500000x128xf32, #tpu.memory_space<hbm>>) target(%arg15 : memref<128x128xf32, #tpu.memory_space<vmem>>) offsets(%dma_start3A_207 : memref<128xi32, #tpu.memory_space<vmem>>) semaphore(%arg17 : memref<!tpu.dma_semaphore, #tpu.memory_space<semaphore_mem>>)
    %dma_wait3A_211 = arith.constant 0 : i32
    %dma_wait3A_212 = arith.constant 0 : i32
    %dma_wait3A_213 = tpu.memref_slice %arg13[%dma_wait3A_211, %dma_wait3A_212] : memref<4x128xi32, #tpu.memory_space<vmem>> -> memref<1x128xi32, #tpu.memory_space<vmem>>
    %dma_wait3A_214 = tpu.memref_squeeze %dma_wait3A_213 : memref<1x128xi32, #tpu.memory_space<vmem>> -> memref<128xi32, #tpu.memory_space<vmem>>
    %dma_wait3A_215 = arith.constant 0 : i32
    %dma_wait3A_216 = arith.constant 0 : i32
    %dma_wait3A_217 = tpu.memref_slice %arg5[%dma_wait3A_215, %dma_wait3A_216] : memref<500000x128xf32, #tpu.memory_space<hbm>> -> memref<500000x128xf32, #tpu.memory_space<hbm>>
    tpu.wait_indirect_dma semaphore(%arg16 : memref<!tpu.dma_semaphore, #tpu.memory_space<semaphore_mem>>) src(%dma_wait3A_217 : memref<500000x128xf32, #tpu.memory_space<hbm>>) dst(%arg14 : memref<128x128xf32, #tpu.memory_space<vmem>>)
    %add3A_218 = arith.constant 0 : i32
    %add3A_219 = arith.addi %mul3A_2, %add3A_218 : i32
    %dma_start3A_220 = arith.constant 0 : i32
    %dma_start3A_221 = tpu.memref_slice %arg9[%add3A_219, %dma_start3A_220] : memref<16384x128xf32, #tpu.memory_space<hbm>> -> memref<128x128xf32, #tpu.memory_space<hbm>>
    %dma_start3A_222 = arith.constant 0 : i32
    %dma_start3A_223 = tpu.memref_slice %arg9[%add3A_219, %dma_start3A_222] : memref<16384x128xf32, #tpu.memory_space<hbm>> -> memref<128x128xf32, #tpu.memory_space<hbm>>
    tpu.enqueue_dma source(%arg14 : memref<128x128xf32, #tpu.memory_space<vmem>>) target(%dma_start3A_223 : memref<128x128xf32, #tpu.memory_space<hbm>>) target_semaphore(%arg18 : memref<!tpu.dma_semaphore, #tpu.memory_space<semaphore_mem>>)
    %dma_wait3A_224 = arith.constant 0 : i32
    %dma_wait3A_225 = tpu.memref_slice %arg9[%add3A_219, %dma_wait3A_224] : memref<16384x128xf32, #tpu.memory_space<hbm>> -> memref<128x128xf32, #tpu.memory_space<hbm>>
    %dma_wait3A_226 = arith.constant 0 : i32
    %dma_wait3A_227 = tpu.memref_slice %arg9[%add3A_219, %dma_wait3A_226] : memref<16384x128xf32, #tpu.memory_space<hbm>> -> memref<128x128xf32, #tpu.memory_space<hbm>>
    tpu.wait_dma2 semaphore(%arg18 : memref<!tpu.dma_semaphore, #tpu.memory_space<semaphore_mem>>) src(%arg14 : memref<128x128xf32, #tpu.memory_space<vmem>>) dst(%dma_wait3A_227 : memref<128x128xf32, #tpu.memory_space<hbm>>)
    %dma_start3A_228 = arith.constant 2 : i32
    %dma_start3A_229 = arith.constant 0 : i32
    %dma_start3A_230 = tpu.memref_slice %arg13[%dma_start3A_228, %dma_start3A_229] : memref<4x128xi32, #tpu.memory_space<vmem>> -> memref<1x128xi32, #tpu.memory_space<vmem>>
    %dma_start3A_231 = tpu.memref_squeeze %dma_start3A_230 : memref<1x128xi32, #tpu.memory_space<vmem>> -> memref<128xi32, #tpu.memory_space<vmem>>
    %dma_start3A_232 = arith.constant 0 : i32
    %dma_start3A_233 = arith.constant 0 : i32
    %dma_start3A_234 = tpu.memref_slice %arg5[%dma_start3A_232, %dma_start3A_233] : memref<500000x128xf32, #tpu.memory_space<hbm>> -> memref<500000x128xf32, #tpu.memory_space<hbm>>
    tpu.enqueue_indirect_dma source(%dma_start3A_234 : memref<500000x128xf32, #tpu.memory_space<hbm>>) target(%arg14 : memref<128x128xf32, #tpu.memory_space<vmem>>) offsets(%dma_start3A_231 : memref<128xi32, #tpu.memory_space<vmem>>) semaphore(%arg16 : memref<!tpu.dma_semaphore, #tpu.memory_space<semaphore_mem>>)
    %dma_wait3A_235 = arith.constant 1 : i32
    %dma_wait3A_236 = arith.constant 0 : i32
    %dma_wait3A_237 = tpu.memref_slice %arg13[%dma_wait3A_235, %dma_wait3A_236] : memref<4x128xi32, #tpu.memory_space<vmem>> -> memref<1x128xi32, #tpu.memory_space<vmem>>
    %dma_wait3A_238 = tpu.memref_squeeze %dma_wait3A_237 : memref<1x128xi32, #tpu.memory_space<vmem>> -> memref<128xi32, #tpu.memory_space<vmem>>
    %dma_wait3A_239 = arith.constant 0 : i32
    %dma_wait3A_240 = arith.constant 0 : i32
    %dma_wait3A_241 = tpu.memref_slice %arg5[%dma_wait3A_239, %dma_wait3A_240] : memref<500000x128xf32, #tpu.memory_space<hbm>> -> memref<500000x128xf32, #tpu.memory_space<hbm>>
    tpu.wait_indirect_dma semaphore(%arg17 : memref<!tpu.dma_semaphore, #tpu.memory_space<semaphore_mem>>) src(%dma_wait3A_241 : memref<500000x128xf32, #tpu.memory_space<hbm>>) dst(%arg15 : memref<128x128xf32, #tpu.memory_space<vmem>>)
    %add3A_242 = arith.constant 128 : i32
    %add3A_243 = arith.addi %mul3A_2, %add3A_242 : i32
    %dma_start3A_244 = arith.constant 0 : i32
    %dma_start3A_245 = tpu.memref_slice %arg9[%add3A_243, %dma_start3A_244] : memref<16384x128xf32, #tpu.memory_space<hbm>> -> memref<128x128xf32, #tpu.memory_space<hbm>>
    %dma_start3A_246 = arith.constant 0 : i32
    %dma_start3A_247 = tpu.memref_slice %arg9[%add3A_243, %dma_start3A_246] : memref<16384x128xf32, #tpu.memory_space<hbm>> -> memref<128x128xf32, #tpu.memory_space<hbm>>
    tpu.enqueue_dma source(%arg15 : memref<128x128xf32, #tpu.memory_space<vmem>>) target(%dma_start3A_247 : memref<128x128xf32, #tpu.memory_space<hbm>>) target_semaphore(%arg19 : memref<!tpu.dma_semaphore, #tpu.memory_space<semaphore_mem>>)
    %dma_wait3A_248 = arith.constant 0 : i32
    %dma_wait3A_249 = tpu.memref_slice %arg9[%add3A_243, %dma_wait3A_248] : memref<16384x128xf32, #tpu.memory_space<hbm>> -> memref<128x128xf32, #tpu.memory_space<hbm>>
    %dma_wait3A_250 = arith.constant 0 : i32
    %dma_wait3A_251 = tpu.memref_slice %arg9[%add3A_243, %dma_wait3A_250] : memref<16384x128xf32, #tpu.memory_space<hbm>> -> memref<128x128xf32, #tpu.memory_space<hbm>>
    tpu.wait_dma2 semaphore(%arg19 : memref<!tpu.dma_semaphore, #tpu.memory_space<semaphore_mem>>) src(%arg15 : memref<128x128xf32, #tpu.memory_space<vmem>>) dst(%dma_wait3A_251 : memref<128x128xf32, #tpu.memory_space<hbm>>)
    %dma_start3A_252 = arith.constant 3 : i32
    %dma_start3A_253 = arith.constant 0 : i32
    %dma_start3A_254 = tpu.memref_slice %arg13[%dma_start3A_252, %dma_start3A_253] : memref<4x128xi32, #tpu.memory_space<vmem>> -> memref<1x128xi32, #tpu.memory_space<vmem>>
    %dma_start3A_255 = tpu.memref_squeeze %dma_start3A_254 : memref<1x128xi32, #tpu.memory_space<vmem>> -> memref<128xi32, #tpu.memory_space<vmem>>
    %dma_start3A_256 = arith.constant 0 : i32
    %dma_start3A_257 = arith.constant 0 : i32
    %dma_start3A_258 = tpu.memref_slice %arg5[%dma_start3A_256, %dma_start3A_257] : memref<500000x128xf32, #tpu.memory_space<hbm>> -> memref<500000x128xf32, #tpu.memory_space<hbm>>
    tpu.enqueue_indirect_dma source(%dma_start3A_258 : memref<500000x128xf32, #tpu.memory_space<hbm>>) target(%arg15 : memref<128x128xf32, #tpu.memory_space<vmem>>) offsets(%dma_start3A_255 : memref<128xi32, #tpu.memory_space<vmem>>) semaphore(%arg17 : memref<!tpu.dma_semaphore, #tpu.memory_space<semaphore_mem>>)
    %dma_wait3A_259 = arith.constant 2 : i32
    %dma_wait3A_260 = arith.constant 0 : i32
    %dma_wait3A_261 = tpu.memref_slice %arg13[%dma_wait3A_259, %dma_wait3A_260] : memref<4x128xi32, #tpu.memory_space<vmem>> -> memref<1x128xi32, #tpu.memory_space<vmem>>
    %dma_wait3A_262 = tpu.memref_squeeze %dma_wait3A_261 : memref<1x128xi32, #tpu.memory_space<vmem>> -> memref<128xi32, #tpu.memory_space<vmem>>
    %dma_wait3A_263 = arith.constant 0 : i32
    %dma_wait3A_264 = arith.constant 0 : i32
    %dma_wait3A_265 = tpu.memref_slice %arg5[%dma_wait3A_263, %dma_wait3A_264] : memref<500000x128xf32, #tpu.memory_space<hbm>> -> memref<500000x128xf32, #tpu.memory_space<hbm>>
    tpu.wait_indirect_dma semaphore(%arg16 : memref<!tpu.dma_semaphore, #tpu.memory_space<semaphore_mem>>) src(%dma_wait3A_265 : memref<500000x128xf32, #tpu.memory_space<hbm>>) dst(%arg14 : memref<128x128xf32, #tpu.memory_space<vmem>>)
    %add3A_266 = arith.constant 256 : i32
    %add3A_267 = arith.addi %mul3A_2, %add3A_266 : i32
    %dma_start3A_268 = arith.constant 0 : i32
    %dma_start3A_269 = tpu.memref_slice %arg9[%add3A_267, %dma_start3A_268] : memref<16384x128xf32, #tpu.memory_space<hbm>> -> memref<128x128xf32, #tpu.memory_space<hbm>>
    %dma_start3A_270 = arith.constant 0 : i32
    %dma_start3A_271 = tpu.memref_slice %arg9[%add3A_267, %dma_start3A_270] : memref<16384x128xf32, #tpu.memory_space<hbm>> -> memref<128x128xf32, #tpu.memory_space<hbm>>
    tpu.enqueue_dma source(%arg14 : memref<128x128xf32, #tpu.memory_space<vmem>>) target(%dma_start3A_271 : memref<128x128xf32, #tpu.memory_space<hbm>>) target_semaphore(%arg18 : memref<!tpu.dma_semaphore, #tpu.memory_space<semaphore_mem>>)
    %dma_wait3A_272 = arith.constant 0 : i32
    %dma_wait3A_273 = tpu.memref_slice %arg9[%add3A_267, %dma_wait3A_272] : memref<16384x128xf32, #tpu.memory_space<hbm>> -> memref<128x128xf32, #tpu.memory_space<hbm>>
    %dma_wait3A_274 = arith.constant 0 : i32
    %dma_wait3A_275 = tpu.memref_slice %arg9[%add3A_267, %dma_wait3A_274] : memref<16384x128xf32, #tpu.memory_space<hbm>> -> memref<128x128xf32, #tpu.memory_space<hbm>>
    tpu.wait_dma2 semaphore(%arg18 : memref<!tpu.dma_semaphore, #tpu.memory_space<semaphore_mem>>) src(%arg14 : memref<128x128xf32, #tpu.memory_space<vmem>>) dst(%dma_wait3A_275 : memref<128x128xf32, #tpu.memory_space<hbm>>)
    %dma_start3A_276 = arith.constant 0 : i32
    %dma_start3A_277 = arith.constant 0 : i32
    %dma_start3A_278 = tpu.memref_slice %arg13[%dma_start3A_276, %dma_start3A_277] : memref<4x128xi32, #tpu.memory_space<vmem>> -> memref<1x128xi32, #tpu.memory_space<vmem>>
    %dma_start3A_279 = tpu.memref_squeeze %dma_start3A_278 : memref<1x128xi32, #tpu.memory_space<vmem>> -> memref<128xi32, #tpu.memory_space<vmem>>
    %dma_start3A_280 = arith.constant 0 : i32
    %dma_start3A_281 = arith.constant 0 : i32
    %dma_start3A_282 = tpu.memref_slice %arg7[%dma_start3A_280, %dma_start3A_281] : memref<500000x128xf32, #tpu.memory_space<hbm>> -> memref<500000x128xf32, #tpu.memory_space<hbm>>
    tpu.enqueue_indirect_dma source(%dma_start3A_282 : memref<500000x128xf32, #tpu.memory_space<hbm>>) target(%arg14 : memref<128x128xf32, #tpu.memory_space<vmem>>) offsets(%dma_start3A_279 : memref<128xi32, #tpu.memory_space<vmem>>) semaphore(%arg16 : memref<!tpu.dma_semaphore, #tpu.memory_space<semaphore_mem>>)
    %dma_wait3A_283 = arith.constant 3 : i32
    %dma_wait3A_284 = arith.constant 0 : i32
    %dma_wait3A_285 = tpu.memref_slice %arg13[%dma_wait3A_283, %dma_wait3A_284] : memref<4x128xi32, #tpu.memory_space<vmem>> -> memref<1x128xi32, #tpu.memory_space<vmem>>
    %dma_wait3A_286 = tpu.memref_squeeze %dma_wait3A_285 : memref<1x128xi32, #tpu.memory_space<vmem>> -> memref<128xi32, #tpu.memory_space<vmem>>
    %dma_wait3A_287 = arith.constant 0 : i32
    %dma_wait3A_288 = arith.constant 0 : i32
    %dma_wait3A_289 = tpu.memref_slice %arg5[%dma_wait3A_287, %dma_wait3A_288] : memref<500000x128xf32, #tpu.memory_space<hbm>> -> memref<500000x128xf32, #tpu.memory_space<hbm>>
    tpu.wait_indirect_dma semaphore(%arg17 : memref<!tpu.dma_semaphore, #tpu.memory_space<semaphore_mem>>) src(%dma_wait3A_289 : memref<500000x128xf32, #tpu.memory_space<hbm>>) dst(%arg15 : memref<128x128xf32, #tpu.memory_space<vmem>>)
    %add3A_290 = arith.constant 384 : i32
    %add3A_291 = arith.addi %mul3A_2, %add3A_290 : i32
    %dma_start3A_292 = arith.constant 0 : i32
    %dma_start3A_293 = tpu.memref_slice %arg9[%add3A_291, %dma_start3A_292] : memref<16384x128xf32, #tpu.memory_space<hbm>> -> memref<128x128xf32, #tpu.memory_space<hbm>>
    %dma_start3A_294 = arith.constant 0 : i32
    %dma_start3A_295 = tpu.memref_slice %arg9[%add3A_291, %dma_start3A_294] : memref<16384x128xf32, #tpu.memory_space<hbm>> -> memref<128x128xf32, #tpu.memory_space<hbm>>
    tpu.enqueue_dma source(%arg15 : memref<128x128xf32, #tpu.memory_space<vmem>>) target(%dma_start3A_295 : memref<128x128xf32, #tpu.memory_space<hbm>>) target_semaphore(%arg19 : memref<!tpu.dma_semaphore, #tpu.memory_space<semaphore_mem>>)
    %dma_wait3A_296 = arith.constant 0 : i32
    %dma_wait3A_297 = tpu.memref_slice %arg9[%add3A_291, %dma_wait3A_296] : memref<16384x128xf32, #tpu.memory_space<hbm>> -> memref<128x128xf32, #tpu.memory_space<hbm>>
    %dma_wait3A_298 = arith.constant 0 : i32
    %dma_wait3A_299 = tpu.memref_slice %arg9[%add3A_291, %dma_wait3A_298] : memref<16384x128xf32, #tpu.memory_space<hbm>> -> memref<128x128xf32, #tpu.memory_space<hbm>>
    tpu.wait_dma2 semaphore(%arg19 : memref<!tpu.dma_semaphore, #tpu.memory_space<semaphore_mem>>) src(%arg15 : memref<128x128xf32, #tpu.memory_space<vmem>>) dst(%dma_wait3A_299 : memref<128x128xf32, #tpu.memory_space<hbm>>)
    %dma_start3A_300 = arith.constant 1 : i32
    %dma_start3A_301 = arith.constant 0 : i32
    %dma_start3A_302 = tpu.memref_slice %arg13[%dma_start3A_300, %dma_start3A_301] : memref<4x128xi32, #tpu.memory_space<vmem>> -> memref<1x128xi32, #tpu.memory_space<vmem>>
    %dma_start3A_303 = tpu.memref_squeeze %dma_start3A_302 : memref<1x128xi32, #tpu.memory_space<vmem>> -> memref<128xi32, #tpu.memory_space<vmem>>
    %dma_start3A_304 = arith.constant 0 : i32
    %dma_start3A_305 = arith.constant 0 : i32
    %dma_start3A_306 = tpu.memref_slice %arg7[%dma_start3A_304, %dma_start3A_305] : memref<500000x128xf32, #tpu.memory_space<hbm>> -> memref<500000x128xf32, #tpu.memory_space<hbm>>
    tpu.enqueue_indirect_dma source(%dma_start3A_306 : memref<500000x128xf32, #tpu.memory_space<hbm>>) target(%arg15 : memref<128x128xf32, #tpu.memory_space<vmem>>) offsets(%dma_start3A_303 : memref<128xi32, #tpu.memory_space<vmem>>) semaphore(%arg17 : memref<!tpu.dma_semaphore, #tpu.memory_space<semaphore_mem>>)
    %dma_wait3A_307 = arith.constant 0 : i32
    %dma_wait3A_308 = arith.constant 0 : i32
    %dma_wait3A_309 = tpu.memref_slice %arg13[%dma_wait3A_307, %dma_wait3A_308] : memref<4x128xi32, #tpu.memory_space<vmem>> -> memref<1x128xi32, #tpu.memory_space<vmem>>
    %dma_wait3A_310 = tpu.memref_squeeze %dma_wait3A_309 : memref<1x128xi32, #tpu.memory_space<vmem>> -> memref<128xi32, #tpu.memory_space<vmem>>
    %dma_wait3A_311 = arith.constant 0 : i32
    %dma_wait3A_312 = arith.constant 0 : i32
    %dma_wait3A_313 = tpu.memref_slice %arg7[%dma_wait3A_311, %dma_wait3A_312] : memref<500000x128xf32, #tpu.memory_space<hbm>> -> memref<500000x128xf32, #tpu.memory_space<hbm>>
    tpu.wait_indirect_dma semaphore(%arg16 : memref<!tpu.dma_semaphore, #tpu.memory_space<semaphore_mem>>) src(%dma_wait3A_313 : memref<500000x128xf32, #tpu.memory_space<hbm>>) dst(%arg14 : memref<128x128xf32, #tpu.memory_space<vmem>>)
    %add3A_314 = arith.constant 0 : i32
    %add3A_315 = arith.addi %mul3A_2, %add3A_314 : i32
    %dma_start3A_316 = arith.constant 0 : i32
    %dma_start3A_317 = tpu.memref_slice %arg11[%add3A_315, %dma_start3A_316] : memref<16384x128xf32, #tpu.memory_space<hbm>> -> memref<128x128xf32, #tpu.memory_space<hbm>>
    %dma_start3A_318 = arith.constant 0 : i32
    %dma_start3A_319 = tpu.memref_slice %arg11[%add3A_315, %dma_start3A_318] : memref<16384x128xf32, #tpu.memory_space<hbm>> -> memref<128x128xf32, #tpu.memory_space<hbm>>
    tpu.enqueue_dma source(%arg14 : memref<128x128xf32, #tpu.memory_space<vmem>>) target(%dma_start3A_319 : memref<128x128xf32, #tpu.memory_space<hbm>>) target_semaphore(%arg18 : memref<!tpu.dma_semaphore, #tpu.memory_space<semaphore_mem>>)
    %dma_wait3A_320 = arith.constant 0 : i32
    %dma_wait3A_321 = tpu.memref_slice %arg11[%add3A_315, %dma_wait3A_320] : memref<16384x128xf32, #tpu.memory_space<hbm>> -> memref<128x128xf32, #tpu.memory_space<hbm>>
    %dma_wait3A_322 = arith.constant 0 : i32
    %dma_wait3A_323 = tpu.memref_slice %arg11[%add3A_315, %dma_wait3A_322] : memref<16384x128xf32, #tpu.memory_space<hbm>> -> memref<128x128xf32, #tpu.memory_space<hbm>>
    tpu.wait_dma2 semaphore(%arg18 : memref<!tpu.dma_semaphore, #tpu.memory_space<semaphore_mem>>) src(%arg14 : memref<128x128xf32, #tpu.memory_space<vmem>>) dst(%dma_wait3A_323 : memref<128x128xf32, #tpu.memory_space<hbm>>)
    %dma_start3A_324 = arith.constant 2 : i32
    %dma_start3A_325 = arith.constant 0 : i32
    %dma_start3A_326 = tpu.memref_slice %arg13[%dma_start3A_324, %dma_start3A_325] : memref<4x128xi32, #tpu.memory_space<vmem>> -> memref<1x128xi32, #tpu.memory_space<vmem>>
    %dma_start3A_327 = tpu.memref_squeeze %dma_start3A_326 : memref<1x128xi32, #tpu.memory_space<vmem>> -> memref<128xi32, #tpu.memory_space<vmem>>
    %dma_start3A_328 = arith.constant 0 : i32
    %dma_start3A_329 = arith.constant 0 : i32
    %dma_start3A_330 = tpu.memref_slice %arg7[%dma_start3A_328, %dma_start3A_329] : memref<500000x128xf32, #tpu.memory_space<hbm>> -> memref<500000x128xf32, #tpu.memory_space<hbm>>
    tpu.enqueue_indirect_dma source(%dma_start3A_330 : memref<500000x128xf32, #tpu.memory_space<hbm>>) target(%arg14 : memref<128x128xf32, #tpu.memory_space<vmem>>) offsets(%dma_start3A_327 : memref<128xi32, #tpu.memory_space<vmem>>) semaphore(%arg16 : memref<!tpu.dma_semaphore, #tpu.memory_space<semaphore_mem>>)
    %dma_wait3A_331 = arith.constant 1 : i32
    %dma_wait3A_332 = arith.constant 0 : i32
    %dma_wait3A_333 = tpu.memref_slice %arg13[%dma_wait3A_331, %dma_wait3A_332] : memref<4x128xi32, #tpu.memory_space<vmem>> -> memref<1x128xi32, #tpu.memory_space<vmem>>
    %dma_wait3A_334 = tpu.memref_squeeze %dma_wait3A_333 : memref<1x128xi32, #tpu.memory_space<vmem>> -> memref<128xi32, #tpu.memory_space<vmem>>
    %dma_wait3A_335 = arith.constant 0 : i32
    %dma_wait3A_336 = arith.constant 0 : i32
    %dma_wait3A_337 = tpu.memref_slice %arg7[%dma_wait3A_335, %dma_wait3A_336] : memref<500000x128xf32, #tpu.memory_space<hbm>> -> memref<500000x128xf32, #tpu.memory_space<hbm>>
    tpu.wait_indirect_dma semaphore(%arg17 : memref<!tpu.dma_semaphore, #tpu.memory_space<semaphore_mem>>) src(%dma_wait3A_337 : memref<500000x128xf32, #tpu.memory_space<hbm>>) dst(%arg15 : memref<128x128xf32, #tpu.memory_space<vmem>>)
    %add3A_338 = arith.constant 128 : i32
    %add3A_339 = arith.addi %mul3A_2, %add3A_338 : i32
    %dma_start3A_340 = arith.constant 0 : i32
    %dma_start3A_341 = tpu.memref_slice %arg11[%add3A_339, %dma_start3A_340] : memref<16384x128xf32, #tpu.memory_space<hbm>> -> memref<128x128xf32, #tpu.memory_space<hbm>>
    %dma_start3A_342 = arith.constant 0 : i32
    %dma_start3A_343 = tpu.memref_slice %arg11[%add3A_339, %dma_start3A_342] : memref<16384x128xf32, #tpu.memory_space<hbm>> -> memref<128x128xf32, #tpu.memory_space<hbm>>
    tpu.enqueue_dma source(%arg15 : memref<128x128xf32, #tpu.memory_space<vmem>>) target(%dma_start3A_343 : memref<128x128xf32, #tpu.memory_space<hbm>>) target_semaphore(%arg19 : memref<!tpu.dma_semaphore, #tpu.memory_space<semaphore_mem>>)
    %dma_wait3A_344 = arith.constant 0 : i32
    %dma_wait3A_345 = tpu.memref_slice %arg11[%add3A_339, %dma_wait3A_344] : memref<16384x128xf32, #tpu.memory_space<hbm>> -> memref<128x128xf32, #tpu.memory_space<hbm>>
    %dma_wait3A_346 = arith.constant 0 : i32
    %dma_wait3A_347 = tpu.memref_slice %arg11[%add3A_339, %dma_wait3A_346] : memref<16384x128xf32, #tpu.memory_space<hbm>> -> memref<128x128xf32, #tpu.memory_space<hbm>>
    tpu.wait_dma2 semaphore(%arg19 : memref<!tpu.dma_semaphore, #tpu.memory_space<semaphore_mem>>) src(%arg15 : memref<128x128xf32, #tpu.memory_space<vmem>>) dst(%dma_wait3A_347 : memref<128x128xf32, #tpu.memory_space<hbm>>)
    %dma_start3A_348 = arith.constant 3 : i32
    %dma_start3A_349 = arith.constant 0 : i32
    %dma_start3A_350 = tpu.memref_slice %arg13[%dma_start3A_348, %dma_start3A_349] : memref<4x128xi32, #tpu.memory_space<vmem>> -> memref<1x128xi32, #tpu.memory_space<vmem>>
    %dma_start3A_351 = tpu.memref_squeeze %dma_start3A_350 : memref<1x128xi32, #tpu.memory_space<vmem>> -> memref<128xi32, #tpu.memory_space<vmem>>
    %dma_start3A_352 = arith.constant 0 : i32
    %dma_start3A_353 = arith.constant 0 : i32
    %dma_start3A_354 = tpu.memref_slice %arg7[%dma_start3A_352, %dma_start3A_353] : memref<500000x128xf32, #tpu.memory_space<hbm>> -> memref<500000x128xf32, #tpu.memory_space<hbm>>
    tpu.enqueue_indirect_dma source(%dma_start3A_354 : memref<500000x128xf32, #tpu.memory_space<hbm>>) target(%arg15 : memref<128x128xf32, #tpu.memory_space<vmem>>) offsets(%dma_start3A_351 : memref<128xi32, #tpu.memory_space<vmem>>) semaphore(%arg17 : memref<!tpu.dma_semaphore, #tpu.memory_space<semaphore_mem>>)
    %dma_wait3A_355 = arith.constant 2 : i32
    %dma_wait3A_356 = arith.constant 0 : i32
    %dma_wait3A_357 = tpu.memref_slice %arg13[%dma_wait3A_355, %dma_wait3A_356] : memref<4x128xi32, #tpu.memory_space<vmem>> -> memref<1x128xi32, #tpu.memory_space<vmem>>
    %dma_wait3A_358 = tpu.memref_squeeze %dma_wait3A_357 : memref<1x128xi32, #tpu.memory_space<vmem>> -> memref<128xi32, #tpu.memory_space<vmem>>
    %dma_wait3A_359 = arith.constant 0 : i32
    %dma_wait3A_360 = arith.constant 0 : i32
    %dma_wait3A_361 = tpu.memref_slice %arg7[%dma_wait3A_359, %dma_wait3A_360] : memref<500000x128xf32, #tpu.memory_space<hbm>> -> memref<500000x128xf32, #tpu.memory_space<hbm>>
    tpu.wait_indirect_dma semaphore(%arg16 : memref<!tpu.dma_semaphore, #tpu.memory_space<semaphore_mem>>) src(%dma_wait3A_361 : memref<500000x128xf32, #tpu.memory_space<hbm>>) dst(%arg14 : memref<128x128xf32, #tpu.memory_space<vmem>>)
    %add3A_362 = arith.constant 256 : i32
    %add3A_363 = arith.addi %mul3A_2, %add3A_362 : i32
    %dma_start3A_364 = arith.constant 0 : i32
    %dma_start3A_365 = tpu.memref_slice %arg11[%add3A_363, %dma_start3A_364] : memref<16384x128xf32, #tpu.memory_space<hbm>> -> memref<128x128xf32, #tpu.memory_space<hbm>>
    %dma_start3A_366 = arith.constant 0 : i32
    %dma_start3A_367 = tpu.memref_slice %arg11[%add3A_363, %dma_start3A_366] : memref<16384x128xf32, #tpu.memory_space<hbm>> -> memref<128x128xf32, #tpu.memory_space<hbm>>
    tpu.enqueue_dma source(%arg14 : memref<128x128xf32, #tpu.memory_space<vmem>>) target(%dma_start3A_367 : memref<128x128xf32, #tpu.memory_space<hbm>>) target_semaphore(%arg18 : memref<!tpu.dma_semaphore, #tpu.memory_space<semaphore_mem>>)
    %dma_wait3A_368 = arith.constant 3 : i32
    %dma_wait3A_369 = arith.constant 0 : i32
    %dma_wait3A_370 = tpu.memref_slice %arg13[%dma_wait3A_368, %dma_wait3A_369] : memref<4x128xi32, #tpu.memory_space<vmem>> -> memref<1x128xi32, #tpu.memory_space<vmem>>
    %dma_wait3A_371 = tpu.memref_squeeze %dma_wait3A_370 : memref<1x128xi32, #tpu.memory_space<vmem>> -> memref<128xi32, #tpu.memory_space<vmem>>
    %dma_wait3A_372 = arith.constant 0 : i32
    %dma_wait3A_373 = arith.constant 0 : i32
    %dma_wait3A_374 = tpu.memref_slice %arg7[%dma_wait3A_372, %dma_wait3A_373] : memref<500000x128xf32, #tpu.memory_space<hbm>> -> memref<500000x128xf32, #tpu.memory_space<hbm>>
    tpu.wait_indirect_dma semaphore(%arg17 : memref<!tpu.dma_semaphore, #tpu.memory_space<semaphore_mem>>) src(%dma_wait3A_374 : memref<500000x128xf32, #tpu.memory_space<hbm>>) dst(%arg15 : memref<128x128xf32, #tpu.memory_space<vmem>>)
    %add3A_375 = arith.constant 384 : i32
    %add3A_376 = arith.addi %mul3A_2, %add3A_375 : i32
    %dma_start3A_377 = arith.constant 0 : i32
    %dma_start3A_378 = tpu.memref_slice %arg11[%add3A_376, %dma_start3A_377] : memref<16384x128xf32, #tpu.memory_space<hbm>> -> memref<128x128xf32, #tpu.memory_space<hbm>>
    %dma_start3A_379 = arith.constant 0 : i32
    %dma_start3A_380 = tpu.memref_slice %arg11[%add3A_376, %dma_start3A_379] : memref<16384x128xf32, #tpu.memory_space<hbm>> -> memref<128x128xf32, #tpu.memory_space<hbm>>
    tpu.enqueue_dma source(%arg15 : memref<128x128xf32, #tpu.memory_space<vmem>>) target(%dma_start3A_380 : memref<128x128xf32, #tpu.memory_space<hbm>>) target_semaphore(%arg19 : memref<!tpu.dma_semaphore, #tpu.memory_space<semaphore_mem>>)
    %dma_wait3A_381 = arith.constant 0 : i32
    %dma_wait3A_382 = tpu.memref_slice %arg11[%add3A_363, %dma_wait3A_381] : memref<16384x128xf32, #tpu.memory_space<hbm>> -> memref<128x128xf32, #tpu.memory_space<hbm>>
    %dma_wait3A_383 = arith.constant 0 : i32
    %dma_wait3A_384 = tpu.memref_slice %arg11[%add3A_363, %dma_wait3A_383] : memref<16384x128xf32, #tpu.memory_space<hbm>> -> memref<128x128xf32, #tpu.memory_space<hbm>>
    tpu.wait_dma2 semaphore(%arg18 : memref<!tpu.dma_semaphore, #tpu.memory_space<semaphore_mem>>) src(%arg14 : memref<128x128xf32, #tpu.memory_space<vmem>>) dst(%dma_wait3A_384 : memref<128x128xf32, #tpu.memory_space<hbm>>)
    %dma_wait3A_385 = arith.constant 0 : i32
    %dma_wait3A_386 = tpu.memref_slice %arg11[%add3A_376, %dma_wait3A_385] : memref<16384x128xf32, #tpu.memory_space<hbm>> -> memref<128x128xf32, #tpu.memory_space<hbm>>
    %dma_wait3A_387 = arith.constant 0 : i32
    %dma_wait3A_388 = tpu.memref_slice %arg11[%add3A_376, %dma_wait3A_387] : memref<16384x128xf32, #tpu.memory_space<hbm>> -> memref<128x128xf32, #tpu.memory_space<hbm>>
    tpu.wait_dma2 semaphore(%arg19 : memref<!tpu.dma_semaphore, #tpu.memory_space<semaphore_mem>>) src(%arg15 : memref<128x128xf32, #tpu.memory_space<vmem>>) dst(%dma_wait3A_388 : memref<128x128xf32, #tpu.memory_space<hbm>>)
    return
  }
}

module attributes {stable_mosaic.version = 14 : i64} {
  func.func @body(%arg0: i32, %arg1: memref<2048x128xf32, #tpu.memory_space<vmem>>, %arg2: memref<2048x128xf32, #tpu.memory_space<vmem>>, %arg3: memref<2048x128xf32, #tpu.memory_space<vmem>>, %arg4: memref<2048x128xf32, #tpu.memory_space<vmem>>, %arg5: memref<2048x1xi32, #tpu.memory_space<vmem>>, %arg6: memref<2048x1xi32, #tpu.memory_space<vmem>>, %arg7: memref<64x128xf32, #tpu.memory_space<vmem>>, %arg8: memref<64x128xf32, #tpu.memory_space<vmem>>, %arg9: memref<1x128xf32, #tpu.memory_space<vmem>>, %arg10: memref<128x64xf32, #tpu.memory_space<vmem>>, %arg11: memref<1x64xf32, #tpu.memory_space<vmem>>, %arg12: memref<64x32xf32, #tpu.memory_space<vmem>>, %arg13: memref<1x32xf32, #tpu.memory_space<vmem>>, %arg14: memref<1x64xf32, #tpu.memory_space<vmem>>, %arg15: memref<1x32xf32, #tpu.memory_space<vmem>>, %arg16: memref<1x1xf32, #tpu.memory_space<vmem>>, %arg17: memref<2048x1xf32, #tpu.memory_space<vmem>>) attributes {dimension_semantics = [#tpu.dimension_semantics<arbitrary>], iteration_bounds = array<i64: 8>, scalar_prefetch = 0 : i64, scratch_operands = 0 : i64, tpu.core_type = #tpu.core_type<tc>, window_params = [{transform_indices = @transform_0, window_bounds = array<i64: 2048, 128>}, {transform_indices = @transform_1, window_bounds = array<i64: 2048, 128>}, {transform_indices = @transform_2, window_bounds = array<i64: 2048, 128>}, {transform_indices = @transform_3, window_bounds = array<i64: 2048, 128>}, {transform_indices = @transform_4, window_bounds = array<i64: 2048, 1>}, {transform_indices = @transform_5, window_bounds = array<i64: 2048, 1>}, {pipeline_mode = #tpu.pipeline_mode<synchronous>, transform_indices = @transform_6, window_bounds = array<i64: 64, 128>}, {pipeline_mode = #tpu.pipeline_mode<synchronous>, transform_indices = @transform_7, window_bounds = array<i64: 64, 128>}, {pipeline_mode = #tpu.pipeline_mode<synchronous>, transform_indices = @transform_8, window_bounds = array<i64: 1, 128>}, {pipeline_mode = #tpu.pipeline_mode<synchronous>, transform_indices = @transform_9, window_bounds = array<i64: 128, 64>}, {pipeline_mode = #tpu.pipeline_mode<synchronous>, transform_indices = @transform_10, window_bounds = array<i64: 1, 64>}, {pipeline_mode = #tpu.pipeline_mode<synchronous>, transform_indices = @transform_11, window_bounds = array<i64: 64, 32>}, {pipeline_mode = #tpu.pipeline_mode<synchronous>, transform_indices = @transform_12, window_bounds = array<i64: 1, 32>}, {pipeline_mode = #tpu.pipeline_mode<synchronous>, transform_indices = @transform_13, window_bounds = array<i64: 1, 64>}, {pipeline_mode = #tpu.pipeline_mode<synchronous>, transform_indices = @transform_14, window_bounds = array<i64: 1, 32>}, {pipeline_mode = #tpu.pipeline_mode<synchronous>, transform_indices = @transform_15, window_bounds = array<i64: 1, 1>}, {transform_indices = @transform_16, window_bounds = array<i64: 2048, 1>}]} {
    %get3A = arith.constant 0 : index
    %get3A_0 = arith.constant 0 : index
    %get3A_1 = vector.load %arg5[%get3A, %get3A_0] : memref<2048x1xi32, #tpu.memory_space<vmem>>, vector<2048x1xi32>
    %eq3A = arith.constant 0 : i32
    %eq3A_2 = vector.broadcast %eq3A : i32 to vector<2048x1xi32>
    %eq3A_3 = arith.cmpi eq, %get3A_1, %eq3A_2 : vector<2048x1xi32>
    %get3A_4 = arith.constant 0 : index
    %get3A_5 = arith.constant 0 : index
    %get3A_6 = vector.load %arg6[%get3A_4, %get3A_5] : memref<2048x1xi32, #tpu.memory_space<vmem>>, vector<2048x1xi32>
    %eq3A_7 = arith.constant 0 : i32
    %eq3A_8 = vector.broadcast %eq3A_7 : i32 to vector<2048x1xi32>
    %eq3A_9 = arith.cmpi eq, %get3A_6, %eq3A_8 : vector<2048x1xi32>
    %get3A_10 = arith.constant 0 : index
    %get3A_11 = arith.constant 0 : index
    %get3A_12 = vector.load %arg1[%get3A_10, %get3A_11] : memref<2048x128xf32, #tpu.memory_space<vmem>>, vector<2048x128xf32>
    %get3A_13 = arith.constant 0 : index
    %get3A_14 = arith.constant 0 : index
    %get3A_15 = vector.load %arg2[%get3A_13, %get3A_14] : memref<2048x128xf32, #tpu.memory_space<vmem>>, vector<2048x128xf32>
    %get3A_16 = arith.constant 0 : index
    %get3A_17 = arith.constant 0 : index
    %get3A_18 = vector.load %arg3[%get3A_16, %get3A_17] : memref<2048x128xf32, #tpu.memory_space<vmem>>, vector<2048x128xf32>
    %get3A_19 = arith.constant 0 : index
    %get3A_20 = arith.constant 0 : index
    %get3A_21 = vector.load %arg4[%get3A_19, %get3A_20] : memref<2048x128xf32, #tpu.memory_space<vmem>>, vector<2048x128xf32>
    %slice3A = vector.extract_strided_slice %get3A_12 {offsets = [0, 0], sizes = [2048, 64], strides = [1, 1]} : vector<2048x128xf32> to vector<2048x64xf32>
    %slice3A_22 = vector.extract_strided_slice %get3A_12 {offsets = [0, 64], sizes = [2048, 64], strides = [1, 1]} : vector<2048x128xf32> to vector<2048x64xf32>
    %broadcast_in_dim3A = vector.shape_cast %eq3A_3 : vector<2048x1xi1> to vector<2048x1xi1>
    %broadcast_in_dim3A_23 = vector.broadcast %broadcast_in_dim3A : vector<2048x1xi1> to vector<2048x64xi1>
    %select_n3A = arith.select %broadcast_in_dim3A_23, %slice3A, %slice3A_22 : vector<2048x64xi1>, vector<2048x64xf32>
    %slice3A_24 = vector.extract_strided_slice %get3A_15 {offsets = [0, 0], sizes = [2048, 64], strides = [1, 1]} : vector<2048x128xf32> to vector<2048x64xf32>
    %slice3A_25 = vector.extract_strided_slice %get3A_15 {offsets = [0, 64], sizes = [2048, 64], strides = [1, 1]} : vector<2048x128xf32> to vector<2048x64xf32>
    %broadcast_in_dim3A_26 = vector.shape_cast %eq3A_9 : vector<2048x1xi1> to vector<2048x1xi1>
    %broadcast_in_dim3A_27 = vector.broadcast %broadcast_in_dim3A_26 : vector<2048x1xi1> to vector<2048x64xi1>
    %select_n3A_28 = arith.select %broadcast_in_dim3A_27, %slice3A_24, %slice3A_25 : vector<2048x64xi1>, vector<2048x64xf32>
    %slice3A_29 = vector.extract_strided_slice %get3A_18 {offsets = [0, 0], sizes = [2048, 64], strides = [1, 1]} : vector<2048x128xf32> to vector<2048x64xf32>
    %slice3A_30 = vector.extract_strided_slice %get3A_18 {offsets = [0, 64], sizes = [2048, 64], strides = [1, 1]} : vector<2048x128xf32> to vector<2048x64xf32>
    %broadcast_in_dim3A_31 = vector.shape_cast %eq3A_3 : vector<2048x1xi1> to vector<2048x1xi1>
    %broadcast_in_dim3A_32 = vector.broadcast %broadcast_in_dim3A_31 : vector<2048x1xi1> to vector<2048x64xi1>
    %select_n3A_33 = arith.select %broadcast_in_dim3A_32, %slice3A_29, %slice3A_30 : vector<2048x64xi1>, vector<2048x64xf32>
    %slice3A_34 = vector.extract_strided_slice %get3A_21 {offsets = [0, 0], sizes = [2048, 64], strides = [1, 1]} : vector<2048x128xf32> to vector<2048x64xf32>
    %slice3A_35 = vector.extract_strided_slice %get3A_21 {offsets = [0, 64], sizes = [2048, 64], strides = [1, 1]} : vector<2048x128xf32> to vector<2048x64xf32>
    %broadcast_in_dim3A_36 = vector.shape_cast %eq3A_9 : vector<2048x1xi1> to vector<2048x1xi1>
    %broadcast_in_dim3A_37 = vector.broadcast %broadcast_in_dim3A_36 : vector<2048x1xi1> to vector<2048x64xi1>
    %select_n3A_38 = arith.select %broadcast_in_dim3A_37, %slice3A_34, %slice3A_35 : vector<2048x64xi1>, vector<2048x64xf32>
    %mul3A = arith.mulf %select_n3A, %select_n3A_28 : vector<2048x64xf32>
    %get3A_39 = arith.constant 0 : index
    %get3A_40 = arith.constant 0 : index
    %get3A_41 = vector.load %arg7[%get3A_39, %get3A_40] : memref<64x128xf32, #tpu.memory_space<vmem>>, vector<64x128xf32>
    %dot_general3A = arith.constant dense<0.000000e+00> : vector<2048x128xf32>
    %dot_general3A_42 = tpu.matmul %select_n3A_33, %get3A_41, %dot_general3A {dimension_numbers = #tpu.dot_dimension_numbers<[1], [0], [0], [1], [0, 0, 1, 1], [], []>, transpose_lhs_hint = false} : vector<2048x64xf32>, vector<64x128xf32>, vector<2048x128xf32> -> vector<2048x128xf32>
    %get3A_43 = arith.constant 0 : index
    %get3A_44 = arith.constant 0 : index
    %get3A_45 = vector.load %arg8[%get3A_43, %get3A_44] : memref<64x128xf32, #tpu.memory_space<vmem>>, vector<64x128xf32>
    %dot_general3A_46 = arith.constant dense<0.000000e+00> : vector<2048x128xf32>
    %dot_general3A_47 = tpu.matmul %select_n3A_38, %get3A_45, %dot_general3A_46 {dimension_numbers = #tpu.dot_dimension_numbers<[1], [0], [0], [1], [0, 0, 1, 1], [], []>, transpose_lhs_hint = false} : vector<2048x64xf32>, vector<64x128xf32>, vector<2048x128xf32> -> vector<2048x128xf32>
    %add3A = arith.addf %dot_general3A_42, %dot_general3A_47 : vector<2048x128xf32>
    %get3A_48 = arith.constant 0 : index
    %get3A_49 = arith.constant 0 : index
    %get3A_50 = vector.load %arg9[%get3A_48, %get3A_49] : memref<1x128xf32, #tpu.memory_space<vmem>>, vector<1x128xf32>
    %add3A_51 = vector.broadcast %get3A_50 : vector<1x128xf32> to vector<2048x128xf32>
    %add3A_52 = arith.addf %add3A, %add3A_51 : vector<2048x128xf32>
    %max3A = arith.constant 0.000000e+00 : f32
    %max3A_53 = vector.broadcast %max3A : f32 to vector<2048x128xf32>
    %max3A_54 = arith.maximumf %add3A_52, %max3A_53 : vector<2048x128xf32>
    %get3A_55 = arith.constant 0 : index
    %get3A_56 = arith.constant 0 : index
    %get3A_57 = vector.load %arg10[%get3A_55, %get3A_56] : memref<128x64xf32, #tpu.memory_space<vmem>>, vector<128x64xf32>
    %dot_general3A_58 = arith.constant dense<0.000000e+00> : vector<2048x64xf32>
    %dot_general3A_59 = tpu.matmul %max3A_54, %get3A_57, %dot_general3A_58 {dimension_numbers = #tpu.dot_dimension_numbers<[1], [0], [0], [1], [0, 0, 1, 1], [], []>, transpose_lhs_hint = false} : vector<2048x128xf32>, vector<128x64xf32>, vector<2048x64xf32> -> vector<2048x64xf32>
    %get3A_60 = arith.constant 0 : index
    %get3A_61 = arith.constant 0 : index
    %get3A_62 = vector.load %arg11[%get3A_60, %get3A_61] : memref<1x64xf32, #tpu.memory_space<vmem>>, vector<1x64xf32>
    %add3A_63 = vector.broadcast %get3A_62 : vector<1x64xf32> to vector<2048x64xf32>
    %add3A_64 = arith.addf %dot_general3A_59, %add3A_63 : vector<2048x64xf32>
    %max3A_65 = arith.constant 0.000000e+00 : f32
    %max3A_66 = vector.broadcast %max3A_65 : f32 to vector<2048x64xf32>
    %max3A_67 = arith.maximumf %add3A_64, %max3A_66 : vector<2048x64xf32>
    %get3A_68 = arith.constant 0 : index
    %get3A_69 = arith.constant 0 : index
    %get3A_70 = vector.load %arg12[%get3A_68, %get3A_69] : memref<64x32xf32, #tpu.memory_space<vmem>>, vector<64x32xf32>
    %dot_general3A_71 = arith.constant dense<0.000000e+00> : vector<2048x32xf32>
    %dot_general3A_72 = tpu.matmul %max3A_67, %get3A_70, %dot_general3A_71 {dimension_numbers = #tpu.dot_dimension_numbers<[1], [0], [0], [1], [0, 0, 1, 1], [], []>, transpose_lhs_hint = false} : vector<2048x64xf32>, vector<64x32xf32>, vector<2048x32xf32> -> vector<2048x32xf32>
    %get3A_73 = arith.constant 0 : index
    %get3A_74 = arith.constant 0 : index
    %get3A_75 = vector.load %arg13[%get3A_73, %get3A_74] : memref<1x32xf32, #tpu.memory_space<vmem>>, vector<1x32xf32>
    %add3A_76 = vector.broadcast %get3A_75 : vector<1x32xf32> to vector<2048x32xf32>
    %add3A_77 = arith.addf %dot_general3A_72, %add3A_76 : vector<2048x32xf32>
    %max3A_78 = arith.constant 0.000000e+00 : f32
    %max3A_79 = vector.broadcast %max3A_78 : f32 to vector<2048x32xf32>
    %max3A_80 = arith.maximumf %add3A_77, %max3A_79 : vector<2048x32xf32>
    %get3A_81 = arith.constant 0 : index
    %get3A_82 = arith.constant 0 : index
    %get3A_83 = vector.load %arg14[%get3A_81, %get3A_82] : memref<1x64xf32, #tpu.memory_space<vmem>>, vector<1x64xf32>
    %mul3A_84 = vector.broadcast %get3A_83 : vector<1x64xf32> to vector<2048x64xf32>
    %mul3A_85 = arith.mulf %mul3A, %mul3A_84 : vector<2048x64xf32>
    %reduce_sum3A = arith.constant dense<0.000000e+00> : vector<2048xf32>
    %reduce_sum3A_86 = vector.multi_reduction <add>, %mul3A_85, %reduce_sum3A [1] : vector<2048x64xf32> to vector<2048xf32>
    %broadcast_in_dim3A_87 = vector.shape_cast %reduce_sum3A_86 : vector<2048xf32> to vector<2048x1xf32>
    %get3A_88 = arith.constant 0 : index
    %get3A_89 = arith.constant 0 : index
    %get3A_90 = vector.load %arg15[%get3A_88, %get3A_89] : memref<1x32xf32, #tpu.memory_space<vmem>>, vector<1x32xf32>
    %mul3A_91 = vector.broadcast %get3A_90 : vector<1x32xf32> to vector<2048x32xf32>
    %mul3A_92 = arith.mulf %max3A_80, %mul3A_91 : vector<2048x32xf32>
    %reduce_sum3A_93 = arith.constant dense<0.000000e+00> : vector<2048xf32>
    %reduce_sum3A_94 = vector.multi_reduction <add>, %mul3A_92, %reduce_sum3A_93 [1] : vector<2048x32xf32> to vector<2048xf32>
    %broadcast_in_dim3A_95 = vector.shape_cast %reduce_sum3A_94 : vector<2048xf32> to vector<2048x1xf32>
    %add3A_96 = arith.addf %broadcast_in_dim3A_87, %broadcast_in_dim3A_95 : vector<2048x1xf32>
    %get3A_97 = arith.constant 0 : index
    %get3A_98 = arith.constant 0 : index
    %get3A_99 = vector.load %arg16[%get3A_97, %get3A_98] : memref<1x1xf32, #tpu.memory_space<vmem>>, vector<1x1xf32>
    %add3A_100 = vector.broadcast %get3A_99 : vector<1x1xf32> to vector<2048x1xf32>
    %add3A_101 = arith.addf %add3A_96, %add3A_100 : vector<2048x1xf32>
    %neg3A = arith.constant 0.000000e+00 : f32
    %neg3A_102 = vector.broadcast %neg3A : f32 to vector<2048x1xf32>
    %neg3A_103 = arith.subf %neg3A_102, %add3A_101 : vector<2048x1xf32>
    %exp3A = math.exp %neg3A_103 : vector<2048x1xf32>
    %add3A_104 = arith.constant 1.000000e+00 : f32
    %add3A_105 = vector.broadcast %add3A_104 : f32 to vector<2048x1xf32>
    %add3A_106 = arith.addf %add3A_105, %exp3A : vector<2048x1xf32>
    %div3A = arith.constant 1.000000e+00 : f32
    %div3A_107 = vector.broadcast %div3A : f32 to vector<2048x1xf32>
    %div3A_108 = arith.divf %div3A_107, %add3A_106 : vector<2048x1xf32>
    %swap3A = arith.constant 0 : index
    %swap3A_109 = arith.constant 0 : index
    %swap3A_110 = vector.load %arg17[%swap3A, %swap3A_109] : memref<2048x1xf32, #tpu.memory_space<vmem>>, vector<2048x1xf32>
    tpu.vector_store %arg17[%swap3A, %swap3A_109], %div3A_108 {strides = array<i32>} : memref<2048x1xf32, #tpu.memory_space<vmem>>, vector<2048x1xf32>,
    return
  }
  func.func @transform_0(%arg0: i32) -> (i32, i32) {
    %c0_i32 = arith.constant 0 : i32
    %c0_i32_0 = arith.constant 0 : i32
    return %arg0, %c0_i32 : i32, i32
  }
  func.func @transform_1(%arg0: i32) -> (i32, i32) {
    %c0_i32 = arith.constant 0 : i32
    %c0_i32_0 = arith.constant 0 : i32
    return %arg0, %c0_i32 : i32, i32
  }
  func.func @transform_2(%arg0: i32) -> (i32, i32) {
    %c0_i32 = arith.constant 0 : i32
    %c0_i32_0 = arith.constant 0 : i32
    return %arg0, %c0_i32 : i32, i32
  }
  func.func @transform_3(%arg0: i32) -> (i32, i32) {
    %c0_i32 = arith.constant 0 : i32
    %c0_i32_0 = arith.constant 0 : i32
    return %arg0, %c0_i32 : i32, i32
  }
  func.func @transform_4(%arg0: i32) -> (i32, i32) {
    %c0_i32 = arith.constant 0 : i32
    %c0_i32_0 = arith.constant 0 : i32
    return %arg0, %c0_i32 : i32, i32
  }
  func.func @transform_5(%arg0: i32) -> (i32, i32) {
    %c0_i32 = arith.constant 0 : i32
    %c0_i32_0 = arith.constant 0 : i32
    return %arg0, %c0_i32 : i32, i32
  }
  func.func @transform_6(%arg0: i32) -> (i32, i32) {
    %c0_i32 = arith.constant 0 : i32
    %c0_i32_0 = arith.constant 0 : i32
    %c0_i32_1 = arith.constant 0 : i32
    return %c0_i32, %c0_i32_0 : i32, i32
  }
  func.func @transform_7(%arg0: i32) -> (i32, i32) {
    %c0_i32 = arith.constant 0 : i32
    %c0_i32_0 = arith.constant 0 : i32
    %c0_i32_1 = arith.constant 0 : i32
    return %c0_i32, %c0_i32_0 : i32, i32
  }
  func.func @transform_8(%arg0: i32) -> (i32, i32) {
    %c0_i32 = arith.constant 0 : i32
    %c0_i32_0 = arith.constant 0 : i32
    %c0_i32_1 = arith.constant 0 : i32
    return %c0_i32, %c0_i32_0 : i32, i32
  }
  func.func @transform_9(%arg0: i32) -> (i32, i32) {
    %c0_i32 = arith.constant 0 : i32
    %c0_i32_0 = arith.constant 0 : i32
    %c0_i32_1 = arith.constant 0 : i32
    return %c0_i32, %c0_i32_0 : i32, i32
  }
  func.func @transform_10(%arg0: i32) -> (i32, i32) {
    %c0_i32 = arith.constant 0 : i32
    %c0_i32_0 = arith.constant 0 : i32
    %c0_i32_1 = arith.constant 0 : i32
    return %c0_i32, %c0_i32_0 : i32, i32
  }
  func.func @transform_11(%arg0: i32) -> (i32, i32) {
    %c0_i32 = arith.constant 0 : i32
    %c0_i32_0 = arith.constant 0 : i32
    %c0_i32_1 = arith.constant 0 : i32
    return %c0_i32, %c0_i32_0 : i32, i32
  }
  func.func @transform_12(%arg0: i32) -> (i32, i32) {
    %c0_i32 = arith.constant 0 : i32
    %c0_i32_0 = arith.constant 0 : i32
    %c0_i32_1 = arith.constant 0 : i32
    return %c0_i32, %c0_i32_0 : i32, i32
  }
  func.func @transform_13(%arg0: i32) -> (i32, i32) {
    %c0_i32 = arith.constant 0 : i32
    %c0_i32_0 = arith.constant 0 : i32
    %c0_i32_1 = arith.constant 0 : i32
    return %c0_i32, %c0_i32_0 : i32, i32
  }
  func.func @transform_14(%arg0: i32) -> (i32, i32) {
    %c0_i32 = arith.constant 0 : i32
    %c0_i32_0 = arith.constant 0 : i32
    %c0_i32_1 = arith.constant 0 : i32
    return %c0_i32, %c0_i32_0 : i32, i32
  }
  func.func @transform_15(%arg0: i32) -> (i32, i32) {
    %c0_i32 = arith.constant 0 : i32
    %c0_i32_0 = arith.constant 0 : i32
    %c0_i32_1 = arith.constant 0 : i32
    return %c0_i32, %c0_i32_0 : i32, i32
  }
  func.func @transform_16(%arg0: i32) -> (i32, i32) {
    %c0_i32 = arith.constant 0 : i32
    %c0_i32_0 = arith.constant 0 : i32
    return %arg0, %c0_i32 : i32, i32
  }
}

</mosaic_0001>

<sc_bundles>
// kernel: kernel.4.cloned.1.call-start
scs
__scs_entry_jumppad:
0x0: {  	(pc) =	sbr.rel $0x88, $3  }
0x1: {  	(tag) =	ssettag $0x0;
	lr =	simm.s32 $0x1  }
0x2: {  	[smem:$0x3F93] =	sst lr;
	_ =	strace $0xD0000000  }
0x3: {  	_ = 	snop  }
0x4: {  	_ = 	snop  }
0x5: {  	_ = 	snop  }
0x6: {  	_ = 	snop  }
0x7: {  	_ = 	snop  }
__scs_overlays_trampoline_lowered:
0x8: {  	[smem:$0x3FA2] =	sst s0  }
0x9: {  	[smem:$0x3FA3] =	sst s1  }
0xa: {  	[smem:$0x3FA4] =	sst s2  }
0xb: {  	[smem:$0x3FA5] =	sst s3  }
0xc: {  	[smem:$0x3FA6] =	sst s4  }
0xd: {  	[smem:$0x3FA7] =	sst s5  }
0xe: {  	[smem:$0x3FA8] =	sst s6  }
0xf: {  	[smem:$0x3FA9] =	sst s7  }
0x10: {  	[smem:$0x3FAA] =	sst s8  }
0x11: {  	[smem:$0x3FAB] =	sst s9;
	s0 =	simm.s32 @!p0 $0x0  }
0x12: {  	s1 =	sld [smem:$0x3F91];
	s0 =	simm.s32 @p0 $0x1  }
0x13: {  	[smem:$0x3FAC] =	sst s0;
	s0 =	simm.s32 @!p1 $0x0  }
0x14: {  	s2 =	sld [smem:$0x3F90];
	s0 =	simm.s32 @p1 $0x1  }
0x15: {  	[smem:$0x3FAD] =	sst s0;
	s0 =	simm.s32 @!p2 $0x0  }
0x16: {  	s3 =	sld [smem:$0x3FDB];
	s0 =	simm.s32 @p2 $0x1  }
0x17: {  	s4 =	simm.s32 $0x1BF5;
	[smem:$0x3FAF] =	sst s0  }
0x18: {  	s0 =	sld [smem:$0x3F92];
	_ =	swait.ge [sflag:s4], $0x0  }
0x19: {  	s7 =	sld [smem:$0x3F93]  }
0x1a: {  	s8 =	sadd.s32 $0xFFFFE003, lr  }
0x1b: {  	s9 =	sadd.s32 $0xFFFFFEF7, lr;
	s5 =	simm.s32 $0xFFFFFFFF;
	p2 =	slt.u32 s8, $0xFFFFF086  }
0x1c: {  	p1 =	slt.u32 s9, $0xF7A;
	s5 =	simm.s32 @!p2 $0x0  }
0x1d: {  	s5 =	simm.s32 @p1 $0x1;
	p0 =	seq.s32 s7, s2  }
0x1e: {  	s7 =	smul.u32 @!p0 $0xF7A, s2;
	p2 =	seq.s32 @!p0 s5, $0x0  }
0x1f: {  	s9 =	smul.u32 $0xF7A, s1;
	s8 =	simm.s32 @!p0 $0x1BF5;
	p2 =	por !p2, p0  }
0x20: {  	[sflag:s8] =	ssyncset.s32 @!p0 $0xFFFFF086;
	s6 =	sadd.s32 @!p0 s3, s7;
	s7 =	simm.s32 @!p0 $0x108  }
0x21: {  	s3 =	sadd.s32 s3, s9;
	s6 =	sadd.s32 @!p0 $0x88, s6;
	s7 =	simm.s32 @p2 $0x1082  }
0x22: {  	[simem:s7], [sflag:s8] =	dma.local @!p0 [hbm:s6], $0xF7A  }
0x23: {  	s9 =	sor.u32 $0xD0000000, s2;
	s6 =	simm.s32 $0x108;
	_ =	swait.ge @!p0 [sflag:s8], $0x0  }
0x24: {  	s3 =	sadd.s32 $0x88, s3;
	s6 =	simm.s32 @!p1 $0x1082;
	[sflag:s4] =	ssyncset.s32 $0xFFFFF086  }
0x25: {  	[simem:s6], [sflag:s4] =	dma.local [hbm:s3], $0xF7A  }
0x26: {  	[smem:$0x3F93] =	sst s1;
	(tag) =	ssettag s2;
	_ =	strace s9  }
0x27: {  	s1 =	sld [smem:$0x3FA3]  }
0x28: {  	s2 =	sld [smem:$0x3FA4]  }
0x29: {  	s4 =	sld [smem:$0x3FA6]  }
0x2a: {  	p0 =	seq.s32 s5, $0x0;
	s5 =	sld [smem:$0x3FA7]  }
0x2b: {  	s6 =	sld [smem:$0x3FA8]  }
0x2c: {  	s7 =	sld [smem:$0x3FA9]  }
0x2d: {  	s3 =	simm.s32 $0x108;
	s8 =	sld [smem:$0x3FAA]  }
0x2e: {  	s3 =	simm.s32 @!p0 $0x1082;
	s9 =	sld [smem:$0x3FAB]  }
0x2f: {  	lr =	sadd.s32 s0, s3;
	s0 =	sld [smem:$0x3FA2]  }
0x30: {  	s3 =	sld [smem:$0x3FA5]  }
0x31: {  	[smem:$0x3FAE] =	sst s10  }
0x32: {  	s10 =	sld [smem:$0x3FAC];
	_ =	sdelay $0x3  }
0x33: {  	p0 =	seq.s32 s10, $0x1;
	s10 =	sld [smem:$0x3FAE];
	_ =	sdelay $0x3  }
0x34: {  	[smem:$0x3FAE] =	sst s10  }
0x35: {  	s10 =	sld [smem:$0x3FAD];
	_ =	sdelay $0x3  }
0x36: {  	p1 =	seq.s32 s10, $0x1;
	s10 =	sld [smem:$0x3FAE];
	_ =	sdelay $0x3  }
0x37: {  	[smem:$0x3FAE] =	sst s10  }
0x38: {  	s10 =	sld [smem:$0x3FAF]  }
0x39: {  	_ = 	snop;
	(pc) =	sbr.ind lr, $3  }
0x3a: {  	_ = 	snop  }
0x3b: {  	_ = 	snop  }
0x3c: {  	p2 =	seq.s32 s10, $0x1;
	s10 =	sld [smem:$0x3FAE]  }
0x3d: {  	_ =	shalt  }
0x3e: {  	_ =	shalt  }
0x3f: {  	_ =	shalt  }
0x40: {  	_ =	shalt  }
0x41: {  	_ =	shalt  }
0x42: {  	_ =	shalt  }
0x43: {  	_ =	shalt  }
0x44: {  	_ =	shalt  }
0x45: {  	_ =	shalt  }
0x46: {  	_ =	shalt  }
0x47: {  	_ =	shalt  }
0x48: {  	_ =	shalt  }
0x49: {  	_ =	shalt  }
0x4a: {  	_ =	shalt  }
0x4b: {  	_ =	shalt  }
0x4c: {  	_ =	shalt  }
0x4d: {  	_ =	shalt  }
0x4e: {  	_ =	shalt  }
0x4f: {  	_ =	shalt  }
0x50: {  	_ =	shalt  }
0x51: {  	_ =	shalt  }
0x52: {  	_ =	shalt  }
0x53: {  	_ =	shalt  }
0x54: {  	_ =	shalt  }
0x55: {  	_ =	shalt  }
0x56: {  	_ =	shalt  }
0x57: {  	_ =	shalt  }
0x58: {  	_ =	shalt  }
0x59: {  	_ =	shalt  }
0x5a: {  	_ =	shalt  }
0x5b: {  	_ =	shalt  }
0x5c: {  	_ =	shalt  }
0x5d: {  	_ =	shalt  }
0x5e: {  	_ =	shalt  }
0x5f: {  	_ =	shalt  }
0x60: {  	_ =	shalt  }
0x61: {  	_ =	shalt  }
0x62: {  	_ =	shalt  }
0x63: {  	_ =	shalt  }
0x64: {  	_ =	shalt  }
0x65: {  	_ =	shalt  }
0x66: {  	_ =	shalt  }
0x67: {  	_ =	shalt  }
0x68: {  	_ =	shalt  }
0x69: {  	_ =	shalt  }
0x6a: {  	_ =	shalt  }
0x6b: {  	_ =	shalt  }
0x6c: {  	_ =	shalt  }
0x6d: {  	_ =	shalt  }
0x6e: {  	_ =	shalt  }
0x6f: {  	_ =	shalt  }
0x70: {  	_ =	shalt  }
0x71: {  	_ =	shalt  }
0x72: {  	_ =	shalt  }
0x73: {  	_ =	shalt  }
0x74: {  	_ =	shalt  }
0x75: {  	_ =	shalt  }
0x76: {  	_ =	shalt  }
0x77: {  	_ =	shalt  }
0x78: {  	_ =	shalt  }
0x79: {  	_ =	shalt  }
0x7a: {  	_ =	shalt  }
0x7b: {  	_ =	shalt  }
0x7c: {  	_ =	shalt  }
0x7d: {  	_ =	shalt  }
0x7e: {  	_ =	shalt  }
0x7f: {  	_ =	shalt  }
0x80: {  	_ =	shalt  }
0x81: {  	_ =	shalt  }
0x82: {  	_ =	shalt  }
0x83: {  	_ =	shalt  }
0x84: {  	_ =	shalt  }
0x85: {  	_ =	shalt  }
0x86: {  	_ =	shalt  }
0x87: {  	_ =	shalt  }
.Lfunc_end0:
.L_simem_size_0:
called_computation_lowered:
.L_overlay_start_0:
0x88: {  	s2 =	sld [smem:$0x3FD9]  }
0x89: {  	s3 =	sld [smem:$0x3FFE];
	_ =	sdelay $0x1  }
0x8a: {  	s1 =	srdreg.scid  }
0x8b: {  	s0 =	sand.u32 $0x1, s1  }
0x8c: {  	s16 =	sshll.u32 s0, $0xA;
	s2 =	sadd.s32 s3, s2  }
0x8d: {  	s2 =	sadd.s32 s2, s16  }
0x8e: {  	[smem:$0x3FBA] =	sst s2  }
0x8f: {  	_ = 	snop  }
0x90: {  	(tm) =	ssettm $0x1  }
0x91: {  	s17 =	sld [smem:$0x3FFB];
	_ =	sdelay $0x3  }
0x92: {  	_ =	strace s17  }
0x93: {  	s2 =	sld [smem:$0x3FFC];
	_ =	sdelay $0x3  }
0x94: {  	_ =	strace s2  }
0x95: {  	s2 =	sld [smem:$0x3FFD];
	_ =	sdelay $0x3  }
0x96: {  	_ =	strace s2  }
0x97: {  	_ =	strace $0x8FFFFFFF  }
0x98: {  	s18 =	sld [smem:$0x3FDB];
	_ =	sdelay $0x1  }
0x99: {  	s19 =	simm.s32 $_scs_section_size  }
0x9a: {  	s4 =	simm.s32 $_size__tile_overlayer_lowered;
	s5 =	simm.s32 $_tile_overlayer_lowered  }
0x9b: {  	s22 =	simm.s32 $0x1BFF;
	s21 =	sshll.u32 s5, $0x1;
	s2 =	sadd.s32 s19, s18  }
0x9c: {  	s6 =	simm.s32 $0x0;
	s20 =	sshll.u32 s4, $0x1;
	s4 =	sadd.s32 s21, s2  }
0x9d: {  	[timem:s6], [sflag:s22] =	dma.local [hbm:s4], s20  }
0x9e: {  	_ =	swait.ge [sflag:s22], s20  }
0x9f: {  	s3 =	ssub.s32 $0x0, s20;
	[sflag:s22] =	ssyncset.done $0x0  }
0xa0: {  	[sflag:s22] =	ssyncadd.s32 s3;
	_ =	sdelay $0x1  }
0xa1: {  	s23 =	simm.s32 $0x1B8B  }
0xa2: {  	_ =	swait.ge [sflag:s23], $0x1  }
0xa3: {  	[sflag:s23] =	ssyncset.done $0x0  }
0xa4: {  	s25 =	simm.s32 $0x1B8E;
	s24 =	sld [smem:$0x3FFE];
	[sflag:s23] =	ssyncadd.s32 $0xFFFFFFFF  }
0xa5: {  	s26 =	simm.s32 $execute0_lowered;
	[smem:$0x3FD2] =	sst s25  }
0xa6: {  	s4 =	sshll.u32 s26, $0x1;
	_ =	strace $0x80000046;
	[dreg:$0x1] =	wrdreg $0xFFFFFFFF  }
0xa7: {  	s28 =	simm.s32 $_size_execute0_lowered;
	s2 =	sadd.s32 s2, s4;
	[dreg:$0x0] =	wrdreg $0x0  }
0xa8: {  	s4 =	sshll.u32 s28, $0x1;
	[dreg:$0x2] =	wrdreg s2  }
0xa9: {  	[dreg:$0x3] =	wrdreg s4  }
0xaa: {  	[dreg:$0x4] =	wrdreg $0xC0  }
0xab: {  	_ =	task [dreg:s6], $0x5FFFF  }
0xac: {  	[dreg:$0x1] =	wrdreg $0xFFFFFFFF  }
0xad: {  	[dreg:$0x0] =	wrdreg $0x60  }
0xae: {  	[dreg:$0x2] =	wrdreg s24  }
0xaf: {  	[dreg:$0x3] =	wrdreg $0x9  }
0xb0: {  	_ =	task.clear_ibuf [dreg:s6], $0x4FFFF;
	_ =	strace $0x90000046  }
0xb1: {  	s29 =	simm.s32 $0x9;
	_ =	strace $0x80000048  }
0xb2: {  	_ =	swait.ge [sflag:s29], $0x1  }
0xb3: {  	[sflag:s29] =	ssyncadd.s32 $0xFFFFFFFF  }
0xb4: {  	_ =	strace $0x90000048  }
0xb5: {  	_ =	sfence  }
0xb6: {  	s30 =	sld [smem:$0x0];
	_ =	sdelay $0x2  }
0xb7: {  	s31 =	sshll.u32 s1, $0xD;
	s1 =	sshrl.u32 s1, $0x2  }
0xb8: {  	s3 =	sand.u32 $0x4000, s31;
	s1 =	sadd.s32 s1, s30  }
0xb9: {  	s0 =	sor.u32 s3, s0;
	s1 =	sshll.u32 s1, $0x11  }
0xba: {  	s0 =	sor.u32 s1, s0  }
0xbb: {  	s0 =	sadd.s32 $0x8F2B, s0  }
0xbc: {  	[sflag:s0] =	ssyncadd.remote.s32 $0x1  }
0xbd: {  	_ =	sfence.sel $0xFFFF  }
0xbe: {  	[dreg:$0x0] =	wrdreg $0xFFFFFFFF;
	(pc) =	sbr.abs _section_cstart, $3  }
0xbf: {  	[dreg:$0x1] =	wrdreg $0xFFFFFFFF  }
0xc0: {  	_ =	task.clear_ibuf [dreg:s6], $0x2FFFF;
	_ =	strace $0x9FFFFFFF  }
0xc1: {  	(tm) =	ssettm $0x7FFFFFFF  }
tec
execute0_lowered:
.L_overlay_start_1:
0x0: {  	(tag) =	ssettag $0x1  }
0x1: {  	s0 =	srdreg.scid  }
0x2: {  	s28 =	rddreg [dreg:$0x0];
	s5 =	stileid.u32;
	s0 =	sand.u32 $0x1, s0  }
0x3: {  	s2 =	simm.s32 $0x0;
	s1 =	sshll.u32 s5, $0x7;
	s3 =	sshll.u32 s0, $0x6  }
0x4: {  	[smem:$0x7FF] =	sst s2;
	s17 =	sadd.s32 $0x3C00, s28;
	s1 =	sor.u32 s3, s1  }
0x5: {  	s5 =	sshll.u32 s5, $0xE;
	[dreg:$0xa] =	wrdreg s0;
	s1 =	sadd.s32 s1, s28  }
0x6: {  	s6 =	sshll.u32 s0, $0xD;
	_ =	strace $0x80000047;
	s4 =	sadd.s32 $0x3400, s1  }
0x7: {  	s18 =	sadd.s32 $0x2C00, s1;
	s1 =	sor.u32 s6, s5;
	[dreg:$0x2] =	wrdreg s4  }
0x8: {  	[dreg:$0x3] =	wrdreg s18;
	s19 =	sadd.s32 s17, s1  }
0x9: {  	s29 =	sor.u32 $0x800, s1;
	[dreg:$0x4] =	wrdreg s19  }
0xa: {  	s30 =	sor.u32 $0x1000, s1;
	s20 =	sadd.s32 s17, s29;
	s23 =	rddreg [dreg:$0x2]  }
0xb: {  	s31 =	sor.u32 $0x1800, s1;
	s21 =	sadd.s32 s17, s30;
	[dreg:$0x5] =	wrdreg s20  }
0xc: {  	s18 =	sadd.s32 $0x83C00, s28;
	s3 =	sadd.s32 s17, s31;
	[dreg:$0x6] =	wrdreg s21  }
0xd: {  	s22 =	sadd.s32 s18, s1;
	[dreg:$0x7] =	wrdreg s3  }
0xe: {  	s24 =	sadd.s32 s18, s29;
	[dreg:$0x8] =	wrdreg s22  }
0xf: {  	[dreg:$0x9] =	wrdreg s24;
	s3 =	simm.s32 $0x5  }
0x10: {  	[tilespmem:s2], [sflag:$0x5] =	stream.linear.gather [hbm4b:s23+s2], $0x200, $0x38;
	[tilespmem:$0x8400] =	vst v63  }
0x11: {  	_ =	swait.ge [sflag:s3], $0x200  }
0x12: {  	[sflag:s3] =	ssyncset.done $0x0  }
0x13: {  	s4 =	simm.s32 $0x200;
	s25 =	rddreg [dreg:$0x3];
	[sflag:s3] =	ssyncadd.s32 $0xFFFFFE00  }
0x14: {  	[tilespmem:s4], [sflag:$0x5] =	stream.linear.gather [hbm4b:s25+s2], $0x200, $0x38;
	[tilespmem:$0x8400] =	vst v63  }
0x15: {  	_ =	swait.ge [sflag:s3], $0x200  }
0x16: {  	s7 =	simm.s32 $0x400;
	[sflag:s3] =	ssyncset.done $0x0  }
0x17: {  	s5 =	sadd.s32 $0xF44800, s28;
	s6 =	simm.s32 $0x80;
	[sflag:s3] =	ssyncadd.s32 $0xFFFFFE00  }
0x18: {  	[tilespmem:s7], [sflag:$0x1] =	stream.indirect.gather [hbm4b:s5+s6], $0x80, s2, s6, $0xb8;
	[tilespmem:$0x8400] =	vst v63  }
0x19: {  	s8 =	simm.s32 $0x4400;
	s9 =	simm.s32 $0x1  }
0x1a: {  	[tilespmem:s8], [sflag:$0x2] =	stream.indirect.gather [hbm4b:s5+s6], $0x80, s6, s6, $0xb8;
	[tilespmem:$0x8400] =	vst v63  }
0x1b: {  	_ =	swait.ge [sflag:s9], $0x4000  }
0x1c: {  	[sflag:s9] =	ssyncset.done $0x0  }
0x1d: {  	s10 =	simm.s32 $0x3;
	s11 =	rddreg [dreg:$0x4];
	[sflag:s9] =	ssyncadd.s32 $0xFFFFC000  }
0x1e: {  	[hbm4b:s11+s2] =	stream.linear.scatter [tilespmem:s7], [sflag:$0x3], $0x4000, $0x38;
	[tilespmem:$0x8400] =	vst v63  }
0x1f: {  	_ =	swait.ge [sflag:s10], $0x4000  }
0x20: {  	[sflag:s10] =	ssyncset.done $0x0  }
0x21: {  	s12 =	simm.s32 $0x2;
	s11 =	simm.s32 $0x100;
	[sflag:s10] =	ssyncadd.s32 $0xFFFFC000  }
0x22: {  	[tilespmem:s7], [sflag:$0x1] =	stream.indirect.gather [hbm4b:s5+s6], $0x80, s11, s6, $0xb8;
	[tilespmem:$0x8400] =	vst v63  }
0x23: {  	_ =	swait.ge [sflag:s12], $0x4000  }
0x24: {  	[sflag:s12] =	ssyncset.done $0x0  }
0x25: {  	s13 =	simm.s32 $0x4;
	s14 =	rddreg [dreg:$0x5];
	[sflag:s12] =	ssyncadd.s32 $0xFFFFC000  }
0x26: {  	[hbm4b:s14+s2] =	stream.linear.scatter [tilespmem:s8], [sflag:$0x4], $0x4000, $0x38;
	[tilespmem:$0x8400] =	vst v63  }
0x27: {  	_ =	swait.ge [sflag:s13], $0x4000  }
0x28: {  	[sflag:s13] =	ssyncset.done $0x0  }
0x29: {  	s14 =	simm.s32 $0x180;
	[sflag:s13] =	ssyncadd.s32 $0xFFFFC000  }
0x2a: {  	[tilespmem:s8], [sflag:$0x2] =	stream.indirect.gather [hbm4b:s5+s6], $0x80, s14, s6, $0xb8;
	[tilespmem:$0x8400] =	vst v63  }
0x2b: {  	_ =	swait.ge [sflag:s9], $0x4000  }
0x2c: {  	[sflag:s9] =	ssyncset.done $0x0  }
0x2d: {  	s15 =	rddreg [dreg:$0x6];
	[sflag:s9] =	ssyncadd.s32 $0xFFFFC000  }
0x2e: {  	[hbm4b:s15+s2] =	stream.linear.scatter [tilespmem:s7], [sflag:$0x3], $0x4000, $0x38;
	[tilespmem:$0x8400] =	vst v63  }
0x2f: {  	_ =	swait.ge [sflag:s10], $0x4000  }
0x30: {  	[sflag:s10] =	ssyncset.done $0x0  }
0x31: {  	s15 =	sadd.s32 $0x1E86C00, s28;
	[sflag:s10] =	ssyncadd.s32 $0xFFFFC000  }
0x32: {  	[tilespmem:s7], [sflag:$0x1] =	stream.indirect.gather [hbm4b:s15+s6], $0x80, s2, s6, $0xb8;
	[tilespmem:$0x8400] =	vst v63  }
0x33: {  	_ =	swait.ge [sflag:s12], $0x4000  }
0x34: {  	[sflag:s12] =	ssyncset.done $0x0  }
0x35: {  	s16 =	rddreg [dreg:$0x7];
	[sflag:s12] =	ssyncadd.s32 $0xFFFFC000  }
0x36: {  	[hbm4b:s16+s2] =	stream.linear.scatter [tilespmem:s8], [sflag:$0x4], $0x4000, $0x38;
	[tilespmem:$0x8400] =	vst v63  }
0x37: {  	_ =	swait.ge [sflag:s13], $0x4000  }
0x38: {  	[sflag:s13] =	ssyncset.done $0x0  }
0x39: {  	[sflag:s13] =	ssyncadd.s32 $0xFFFFC000  }
0x3a: {  	[tilespmem:s8], [sflag:$0x2] =	stream.indirect.gather [hbm4b:s15+s6], $0x80, s6, s6, $0xb8;
	[tilespmem:$0x8400] =	vst v63  }
0x3b: {  	_ =	swait.ge [sflag:s9], $0x4000  }
0x3c: {  	[sflag:s9] =	ssyncset.done $0x0  }
0x3d: {  	s26 =	rddreg [dreg:$0x8];
	[sflag:s9] =	ssyncadd.s32 $0xFFFFC000  }
0x3e: {  	[hbm4b:s26+s2] =	stream.linear.scatter [tilespmem:s7], [sflag:$0x3], $0x4000, $0x38;
	[tilespmem:$0x8400] =	vst v63  }
0x3f: {  	_ =	swait.ge [sflag:s10], $0x4000  }
0x40: {  	[sflag:s10] =	ssyncset.done $0x0  }
0x41: {  	[sflag:s10] =	ssyncadd.s32 $0xFFFFC000  }
0x42: {  	[tilespmem:s7], [sflag:$0x1] =	stream.indirect.gather [hbm4b:s15+s6], $0x80, s11, s6, $0xb8;
	[tilespmem:$0x8400] =	vst v63  }
0x43: {  	_ =	swait.ge [sflag:s12], $0x4000  }
0x44: {  	[sflag:s12] =	ssyncset.done $0x0  }
0x45: {  	s0 =	rddreg [dreg:$0x9];
	[sflag:s12] =	ssyncadd.s32 $0xFFFFC000  }
0x46: {  	[hbm4b:s0+s2] =	stream.linear.scatter [tilespmem:s8], [sflag:$0x4], $0x4000, $0x38;
	[tilespmem:$0x8400] =	vst v63  }
0x47: {  	_ =	swait.ge [sflag:s13], $0x4000  }
0x48: {  	[sflag:s13] =	ssyncset.done $0x0  }
0x49: {  	[sflag:s13] =	ssyncadd.s32 $0xFFFFC000  }
0x4a: {  	[tilespmem:s8], [sflag:$0x2] =	stream.indirect.gather [hbm4b:s15+s6], $0x80, s14, s6, $0xb8;
	[tilespmem:$0x8400] =	vst v63  }
0x4b: {  	_ =	swait.ge [sflag:s9], $0x4000  }
0x4c: {  	[sflag:s9] =	ssyncset.done $0x0  }
0x4d: {  	s16 =	sadd.s32 s18, s30;
	[sflag:s9] =	ssyncadd.s32 $0xFFFFC000  }
0x4e: {  	[hbm4b:s16+s2] =	stream.linear.scatter [tilespmem:s7], [sflag:$0x3], $0x4000, $0x38;
	[tilespmem:$0x8400] =	vst v63  }
0x4f: {  	_ =	swait.ge [sflag:s10], $0x4000  }
0x50: {  	[sflag:s10] =	ssyncset.done $0x0  }
0x51: {  	s17 =	sadd.s32 $0x16E5A00, s28;
	[sflag:s10] =	ssyncadd.s32 $0xFFFFC000  }
0x52: {  	[tilespmem:s7], [sflag:$0x1] =	stream.indirect.gather [hbm4b:s17+s6], $0x80, s4, s6, $0xb8;
	[tilespmem:$0x8400] =	vst v63  }
0x53: {  	_ =	swait.ge [sflag:s12], $0x4000  }
0x54: {  	[sflag:s12] =	ssyncset.done $0x0  }
0x55: {  	s18 =	sadd.s32 s18, s31;
	[sflag:s12] =	ssyncadd.s32 $0xFFFFC000  }
0x56: {  	[hbm4b:s18+s2] =	stream.linear.scatter [tilespmem:s8], [sflag:$0x4], $0x4000, $0x38;
	[tilespmem:$0x8400] =	vst v63  }
0x57: {  	_ =	swait.ge [sflag:s13], $0x4000  }
0x58: {  	[sflag:s13] =	ssyncset.done $0x0  }
0x59: {  	s19 =	simm.s32 $0x280;
	[sflag:s13] =	ssyncadd.s32 $0xFFFFC000  }
0x5a: {  	[tilespmem:s8], [sflag:$0x2] =	stream.indirect.gather [hbm4b:s17+s6], $0x80, s19, s6, $0xb8;
	[tilespmem:$0x8400] =	vst v63  }
0x5b: {  	_ =	swait.ge [sflag:s9], $0x4000  }
0x5c: {  	s26 =	sadd.s32 $0x43C00, s28;
	[sflag:s9] =	ssyncset.done $0x0  }
0x5d: {  	s20 =	sadd.s32 s26, s1;
	[sflag:s9] =	ssyncadd.s32 $0xFFFFC000  }
0x5e: {  	[hbm4b:s20+s2] =	stream.linear.scatter [tilespmem:s7], [sflag:$0x3], $0x4000, $0x38;
	[tilespmem:$0x8400] =	vst v63  }
0x5f: {  	_ =	swait.ge [sflag:s10], $0x4000  }
0x60: {  	[sflag:s10] =	ssyncset.done $0x0  }
0x61: {  	s21 =	simm.s32 $0x300;
	[sflag:s10] =	ssyncadd.s32 $0xFFFFC000  }
0x62: {  	[tilespmem:s7], [sflag:$0x1] =	stream.indirect.gather [hbm4b:s17+s6], $0x80, s21, s6, $0xb8;
	[tilespmem:$0x8400] =	vst v63  }
0x63: {  	_ =	swait.ge [sflag:s12], $0x4000  }
0x64: {  	[sflag:s12] =	ssyncset.done $0x0  }
0x65: {  	s22 =	sadd.s32 s26, s29;
	[sflag:s12] =	ssyncadd.s32 $0xFFFFC000  }
0x66: {  	[hbm4b:s22+s2] =	stream.linear.scatter [tilespmem:s8], [sflag:$0x4], $0x4000, $0x38;
	[tilespmem:$0x8400] =	vst v63  }
0x67: {  	_ =	swait.ge [sflag:s13], $0x4000  }
0x68: {  	[sflag:s13] =	ssyncset.done $0x0  }
0x69: {  	s23 =	simm.s32 $0x380;
	[sflag:s13] =	ssyncadd.s32 $0xFFFFC000  }
0x6a: {  	[tilespmem:s8], [sflag:$0x2] =	stream.indirect.gather [hbm4b:s17+s6], $0x80, s23, s6, $0xb8;
	[tilespmem:$0x8400] =	vst v63  }
0x6b: {  	_ =	swait.ge [sflag:s9], $0x4000  }
0x6c: {  	[sflag:s9] =	ssyncset.done $0x0  }
0x6d: {  	s24 =	sadd.s32 s26, s30;
	[sflag:s9] =	ssyncadd.s32 $0xFFFFC000  }
0x6e: {  	[hbm4b:s24+s2] =	stream.linear.scatter [tilespmem:s7], [sflag:$0x3], $0x4000, $0x38;
	[tilespmem:$0x8400] =	vst v63  }
0x6f: {  	_ =	swait.ge [sflag:s10], $0x4000  }
0x70: {  	[sflag:s10] =	ssyncset.done $0x0  }
0x71: {  	s25 =	sadd.s32 $0x2627E00, s28;
	[sflag:s10] =	ssyncadd.s32 $0xFFFFC000  }
0x72: {  	[tilespmem:s7], [sflag:$0x1] =	stream.indirect.gather [hbm4b:s25+s6], $0x80, s4, s6, $0xb8;
	[tilespmem:$0x8400] =	vst v63  }
0x73: {  	_ =	swait.ge [sflag:s12], $0x4000  }
0x74: {  	[sflag:s12] =	ssyncset.done $0x0  }
0x75: {  	s26 =	sadd.s32 s26, s31;
	[sflag:s12] =	ssyncadd.s32 $0xFFFFC000  }
0x76: {  	[hbm4b:s26+s2] =	stream.linear.scatter [tilespmem:s8], [sflag:$0x4], $0x4000, $0x38;
	[tilespmem:$0x8400] =	vst v63  }
0x77: {  	_ =	swait.ge [sflag:s13], $0x4000  }
0x78: {  	[sflag:s13] =	ssyncset.done $0x0  }
0x79: {  	[sflag:s13] =	ssyncadd.s32 $0xFFFFC000  }
0x7a: {  	[tilespmem:s8], [sflag:$0x2] =	stream.indirect.gather [hbm4b:s25+s6], $0x80, s19, s6, $0xb8;
	[tilespmem:$0x8400] =	vst v63  }
0x7b: {  	_ =	swait.ge [sflag:s9], $0x4000  }
0x7c: {  	s0 =	sadd.s32 $0xC3C00, s28;
	[sflag:s9] =	ssyncset.done $0x0  }
0x7d: {  	s28 =	sadd.s32 s0, s1;
	[sflag:s9] =	ssyncadd.s32 $0xFFFFC000  }
0x7e: {  	[hbm4b:s28+s2] =	stream.linear.scatter [tilespmem:s7], [sflag:$0x3], $0x4000, $0x38;
	[tilespmem:$0x8400] =	vst v63  }
0x7f: {  	_ =	swait.ge [sflag:s10], $0x4000  }
0x80: {  	[sflag:s10] =	ssyncset.done $0x0  }
0x81: {  	[sflag:s10] =	ssyncadd.s32 $0xFFFFC000  }
0x82: {  	[tilespmem:s7], [sflag:$0x1] =	stream.indirect.gather [hbm4b:s25+s6], $0x80, s21, s6, $0xb8;
	[tilespmem:$0x8400] =	vst v63  }
0x83: {  	_ =	swait.ge [sflag:s12], $0x4000  }
0x84: {  	[sflag:s12] =	ssyncset.done $0x0  }
0x85: {  	s29 =	sadd.s32 s0, s29;
	[sflag:s12] =	ssyncadd.s32 $0xFFFFC000  }
0x86: {  	[hbm4b:s29+s2] =	stream.linear.scatter [tilespmem:s8], [sflag:$0x4], $0x4000, $0x38;
	[tilespmem:$0x8400] =	vst v63  }
0x87: {  	_ =	swait.ge [sflag:s13], $0x4000  }
0x88: {  	[sflag:s13] =	ssyncset.done $0x0  }
0x89: {  	[sflag:s13] =	ssyncadd.s32 $0xFFFFC000  }
0x8a: {  	[tilespmem:s8], [sflag:$0x2] =	stream.indirect.gather [hbm4b:s25+s6], $0x80, s23, s6, $0xb8;
	[tilespmem:$0x8400] =	vst v63  }
0x8b: {  	_ =	swait.ge [sflag:s9], $0x4000  }
0x8c: {  	[sflag:s9] =	ssyncset.done $0x0  }
0x8d: {  	s30 =	sadd.s32 s0, s30;
	[sflag:s9] =	ssyncadd.s32 $0xFFFFC000  }
0x8e: {  	[hbm4b:s30+s2] =	stream.linear.scatter [tilespmem:s7], [sflag:$0x3], $0x4000, $0x38;
	[tilespmem:$0x8400] =	vst v63  }
0x8f: {  	_ =	swait.ge [sflag:s12], $0x4000  }
0x90: {  	[sflag:s12] =	ssyncset.done $0x0;
	s1 =	rddreg [dreg:$0xa]  }
0x91: {  	s31 =	sadd.s32 s0, s31;
	s0 =	ssub.s32 $0x2, s1;
	[sflag:s12] =	ssyncadd.s32 $0xFFFFC000  }
0x92: {  	[hbm4b:s31+s2] =	stream.linear.scatter [tilespmem:s8], [sflag:$0x4], $0x4000, $0x38;
	[tilespmem:$0x8400] =	vst v63  }
0x93: {  	s1 =	sshrl.u32 s0, $0x1  }
0x94: {  	s0 =	ssub.s32 s0, s1  }
0x95: {  	s0 =	smax.u32 s0, $0x1  }
0x96: {  	p0 =	sne.s32 s0, $0x1  }
.Ltmp0:
0x97: {  	_ =	swait.ge [sflag:s10], $0x4000;
	(pc) =	sbr.rel @!p0 .LBB2_2-.Ltmp0, $4  }
0x98: {  	[sflag:s10] =	ssyncset.done $0x0  }
0x99: {  	[sflag:s10] =	ssyncadd.s32 $0xFFFFC000  }
0x9a: {  	_ =	swait.ge [sflag:s13], $0x4000  }
0x9b: {  	s0 =	sadd.s32 $0xFFFFFFFF, s0;
	[sflag:s13] =	ssyncset.done $0x0  }
.LBB2_1:
0x9c: {  	s1 =	rddreg [dreg:$0x2];
	[sflag:s13] =	ssyncadd.s32 $0xFFFFC000  }
0x9d: {  	[tilespmem:s2], [sflag:$0x5] =	stream.linear.gather [hbm4b:s1+s2], $0x200, $0x38;
	[tilespmem:$0x8400] =	vst v63  }
0x9e: {  	_ =	swait.ge [sflag:s3], $0x200  }
0x9f: {  	[sflag:s3] =	ssyncset.done $0x0  }
0xa0: {  	s1 =	rddreg [dreg:$0x3];
	[sflag:s3] =	ssyncadd.s32 $0xFFFFFE00  }
0xa1: {  	[tilespmem:s4], [sflag:$0x5] =	stream.linear.gather [hbm4b:s1+s2], $0x200, $0x38;
	[tilespmem:$0x8400] =	vst v63  }
0xa2: {  	_ =	swait.ge [sflag:s3], $0x200  }
0xa3: {  	[sflag:s3] =	ssyncset.done $0x0  }
0xa4: {  	[sflag:s3] =	ssyncadd.s32 $0xFFFFFE00  }
0xa5: {  	[tilespmem:s7], [sflag:$0x1] =	stream.indirect.gather [hbm4b:s5+s6], $0x80, s2, s6, $0xb8;
	[tilespmem:$0x8400] =	vst v63  }
0xa6: {  	_ = 	snop  }
0xa7: {  	[tilespmem:s8], [sflag:$0x2] =	stream.indirect.gather [hbm4b:s5+s6], $0x80, s6, s6, $0xb8;
	[tilespmem:$0x8400] =	vst v63  }
0xa8: {  	_ =	swait.ge [sflag:s9], $0x4000  }
0xa9: {  	[sflag:s9] =	ssyncset.done $0x0  }
0xaa: {  	s1 =	rddreg [dreg:$0x4];
	[sflag:s9] =	ssyncadd.s32 $0xFFFFC000  }
0xab: {  	[hbm4b:s1+s2] =	stream.linear.scatter [tilespmem:s7], [sflag:$0x3], $0x4000, $0x38;
	[tilespmem:$0x8400] =	vst v63  }
0xac: {  	_ =	swait.ge [sflag:s10], $0x4000  }
0xad: {  	[sflag:s10] =	ssyncset.done $0x0  }
0xae: {  	[sflag:s10] =	ssyncadd.s32 $0xFFFFC000  }
0xaf: {  	[tilespmem:s7], [sflag:$0x1] =	stream.indirect.gather [hbm4b:s5+s6], $0x80, s11, s6, $0xb8;
	[tilespmem:$0x8400] =	vst v63  }
0xb0: {  	_ =	swait.ge [sflag:s12], $0x4000  }
0xb1: {  	[sflag:s12] =	ssyncset.done $0x0  }
0xb2: {  	s1 =	rddreg [dreg:$0x5];
	[sflag:s12] =	ssyncadd.s32 $0xFFFFC000  }
0xb3: {  	[hbm4b:s1+s2] =	stream.linear.scatter [tilespmem:s8], [sflag:$0x4], $0x4000, $0x38;
	[tilespmem:$0x8400] =	vst v63  }
0xb4: {  	_ =	swait.ge [sflag:s13], $0x4000  }
0xb5: {  	[sflag:s13] =	ssyncset.done $0x0  }
0xb6: {  	[sflag:s13] =	ssyncadd.s32 $0xFFFFC000  }
0xb7: {  	[tilespmem:s8], [sflag:$0x2] =	stream.indirect.gather [hbm4b:s5+s6], $0x80, s14, s6, $0xb8;
	[tilespmem:$0x8400] =	vst v63  }
0xb8: {  	_ =	swait.ge [sflag:s9], $0x4000  }
0xb9: {  	[sflag:s9] =	ssyncset.done $0x0  }
0xba: {  	s1 =	rddreg [dreg:$0x6];
	[sflag:s9] =	ssyncadd.s32 $0xFFFFC000  }
0xbb: {  	[hbm4b:s1+s2] =	stream.linear.scatter [tilespmem:s7], [sflag:$0x3], $0x4000, $0x38;
	[tilespmem:$0x8400] =	vst v63  }
0xbc: {  	_ =	swait.ge [sflag:s10], $0x4000  }
0xbd: {  	[sflag:s10] =	ssyncset.done $0x0  }
0xbe: {  	[sflag:s10] =	ssyncadd.s32 $0xFFFFC000  }
0xbf: {  	[tilespmem:s7], [sflag:$0x1] =	stream.indirect.gather [hbm4b:s15+s6], $0x80, s2, s6, $0xb8;
	[tilespmem:$0x8400] =	vst v63  }
0xc0: {  	_ =	swait.ge [sflag:s12], $0x4000  }
0xc1: {  	[sflag:s12] =	ssyncset.done $0x0  }
0xc2: {  	s1 =	rddreg [dreg:$0x7];
	[sflag:s12] =	ssyncadd.s32 $0xFFFFC000  }
0xc3: {  	[hbm4b:s1+s2] =	stream.linear.scatter [tilespmem:s8], [sflag:$0x4], $0x4000, $0x38;
	[tilespmem:$0x8400] =	vst v63  }
0xc4: {  	_ =	swait.ge [sflag:s13], $0x4000  }
0xc5: {  	[sflag:s13] =	ssyncset.done $0x0  }
0xc6: {  	[sflag:s13] =	ssyncadd.s32 $0xFFFFC000  }
0xc7: {  	[tilespmem:s8], [sflag:$0x2] =	stream.indirect.gather [hbm4b:s15+s6], $0x80, s6, s6, $0xb8;
	[tilespmem:$0x8400] =	vst v63  }
0xc8: {  	_ =	swait.ge [sflag:s9], $0x4000  }
0xc9: {  	[sflag:s9] =	ssyncset.done $0x0  }
0xca: {  	s1 =	rddreg [dreg:$0x8];
	[sflag:s9] =	ssyncadd.s32 $0xFFFFC000  }
0xcb: {  	[hbm4b:s1+s2] =	stream.linear.scatter [tilespmem:s7], [sflag:$0x3], $0x4000, $0x38;
	[tilespmem:$0x8400] =	vst v63  }
0xcc: {  	_ =	swait.ge [sflag:s10], $0x4000  }
0xcd: {  	[sflag:s10] =	ssyncset.done $0x0  }
0xce: {  	[sflag:s10] =	ssyncadd.s32 $0xFFFFC000  }
0xcf: {  	[tilespmem:s7], [sflag:$0x1] =	stream.indirect.gather [hbm4b:s15+s6], $0x80, s11, s6, $0xb8;
	[tilespmem:$0x8400] =	vst v63  }
0xd0: {  	_ =	swait.ge [sflag:s12], $0x4000  }
0xd1: {  	[sflag:s12] =	ssyncset.done $0x0  }
0xd2: {  	s1 =	rddreg [dreg:$0x9];
	[sflag:s12] =	ssyncadd.s32 $0xFFFFC000  }
0xd3: {  	[hbm4b:s1+s2] =	stream.linear.scatter [tilespmem:s8], [sflag:$0x4], $0x4000, $0x38;
	[tilespmem:$0x8400] =	vst v63  }
0xd4: {  	_ =	swait.ge [sflag:s13], $0x4000  }
0xd5: {  	[sflag:s13] =	ssyncset.done $0x0  }
0xd6: {  	[sflag:s13] =	ssyncadd.s32 $0xFFFFC000  }
0xd7: {  	[tilespmem:s8], [sflag:$0x2] =	stream.indirect.gather [hbm4b:s15+s6], $0x80, s14, s6, $0xb8;
	[tilespmem:$0x8400] =	vst v63  }
0xd8: {  	_ =	swait.ge [sflag:s9], $0x4000  }
0xd9: {  	[sflag:s9] =	ssyncset.done $0x0  }
0xda: {  	[sflag:s9] =	ssyncadd.s32 $0xFFFFC000  }
0xdb: {  	[hbm4b:s16+s2] =	stream.linear.scatter [tilespmem:s7], [sflag:$0x3], $0x4000, $0x38;
	[tilespmem:$0x8400] =	vst v63  }
0xdc: {  	_ =	swait.ge [sflag:s10], $0x4000  }
0xdd: {  	[sflag:s10] =	ssyncset.done $0x0  }
0xde: {  	[sflag:s10] =	ssyncadd.s32 $0xFFFFC000  }
0xdf: {  	[tilespmem:s7], [sflag:$0x1] =	stream.indirect.gather [hbm4b:s17+s6], $0x80, s4, s6, $0xb8;
	[tilespmem:$0x8400] =	vst v63  }
0xe0: {  	_ =	swait.ge [sflag:s12], $0x4000  }
0xe1: {  	[sflag:s12] =	ssyncset.done $0x0  }
0xe2: {  	[sflag:s12] =	ssyncadd.s32 $0xFFFFC000  }
0xe3: {  	[hbm4b:s18+s2] =	stream.linear.scatter [tilespmem:s8], [sflag:$0x4], $0x4000, $0x38;
	[tilespmem:$0x8400] =	vst v63  }
0xe4: {  	_ =	swait.ge [sflag:s13], $0x4000  }
0xe5: {  	[sflag:s13] =	ssyncset.done $0x0  }
0xe6: {  	[sflag:s13] =	ssyncadd.s32 $0xFFFFC000  }
0xe7: {  	[tilespmem:s8], [sflag:$0x2] =	stream.indirect.gather [hbm4b:s17+s6], $0x80, s19, s6, $0xb8;
	[tilespmem:$0x8400] =	vst v63  }
0xe8: {  	_ =	swait.ge [sflag:s9], $0x4000  }
0xe9: {  	[sflag:s9] =	ssyncset.done $0x0  }
0xea: {  	[sflag:s9] =	ssyncadd.s32 $0xFFFFC000  }
0xeb: {  	[hbm4b:s20+s2] =	stream.linear.scatter [tilespmem:s7], [sflag:$0x3], $0x4000, $0x38;
	[tilespmem:$0x8400] =	vst v63  }
0xec: {  	_ =	swait.ge [sflag:s10], $0x4000  }
0xed: {  	[sflag:s10] =	ssyncset.done $0x0  }
0xee: {  	[sflag:s10] =	ssyncadd.s32 $0xFFFFC000  }
0xef: {  	[tilespmem:s7], [sflag:$0x1] =	stream.indirect.gather [hbm4b:s17+s6], $0x80, s21, s6, $0xb8;
	[tilespmem:$0x8400] =	vst v63  }
0xf0: {  	_ =	swait.ge [sflag:s12], $0x4000  }
0xf1: {  	[sflag:s12] =	ssyncset.done $0x0  }
0xf2: {  	[sflag:s12] =	ssyncadd.s32 $0xFFFFC000  }
0xf3: {  	[hbm4b:s22+s2] =	stream.linear.scatter [tilespmem:s8], [sflag:$0x4], $0x4000, $0x38;
	[tilespmem:$0x8400] =	vst v63  }
0xf4: {  	_ =	swait.ge [sflag:s13], $0x4000  }
0xf5: {  	[sflag:s13] =	ssyncset.done $0x0  }
0xf6: {  	[sflag:s13] =	ssyncadd.s32 $0xFFFFC000  }
0xf7: {  	[tilespmem:s8], [sflag:$0x2] =	stream.indirect.gather [hbm4b:s17+s6], $0x80, s23, s6, $0xb8;
	[tilespmem:$0x8400] =	vst v63  }
0xf8: {  	_ =	swait.ge [sflag:s9], $0x4000  }
0xf9: {  	[sflag:s9] =	ssyncset.done $0x0  }
0xfa: {  	[sflag:s9] =	ssyncadd.s32 $0xFFFFC000  }
0xfb: {  	[hbm4b:s24+s2] =	stream.linear.scatter [tilespmem:s7], [sflag:$0x3], $0x4000, $0x38;
	[tilespmem:$0x8400] =	vst v63  }
0xfc: {  	_ =	swait.ge [sflag:s10], $0x4000  }
0xfd: {  	[sflag:s10] =	ssyncset.done $0x0  }
0xfe: {  	[sflag:s10] =	ssyncadd.s32 $0xFFFFC000  }
0xff: {  	[tilespmem:s7], [sflag:$0x1] =	stream.indirect.gather [hbm4b:s25+s6], $0x80, s4, s6, $0xb8;
	[tilespmem:$0x8400] =	vst v63  }
0x100: {  	_ =	swait.ge [sflag:s12], $0x4000  }
0x101: {  	[sflag:s12] =	ssyncset.done $0x0  }
0x102: {  	[sflag:s12] =	ssyncadd.s32 $0xFFFFC000  }
0x103: {  	[hbm4b:s26+s2] =	stream.linear.scatter [tilespmem:s8], [sflag:$0x4], $0x4000, $0x38;
	[tilespmem:$0x8400] =	vst v63  }
0x104: {  	_ =	swait.ge [sflag:s13], $0x4000  }
0x105: {  	[sflag:s13] =	ssyncset.done $0x0  }
0x106: {  	[sflag:s13] =	ssyncadd.s32 $0xFFFFC000  }
0x107: {  	[tilespmem:s8], [sflag:$0x2] =	stream.indirect.gather [hbm4b:s25+s6], $0x80, s19, s6, $0xb8;
	[tilespmem:$0x8400] =	vst v63  }
0x108: {  	_ =	swait.ge [sflag:s9], $0x4000  }
0x109: {  	[sflag:s9] =	ssyncset.done $0x0  }
0x10a: {  	[sflag:s9] =	ssyncadd.s32 $0xFFFFC000  }
0x10b: {  	[hbm4b:s28+s2] =	stream.linear.scatter [tilespmem:s7], [sflag:$0x3], $0x4000, $0x38;
	[tilespmem:$0x8400] =	vst v63  }
0x10c: {  	_ =	swait.ge [sflag:s10], $0x4000  }
0x10d: {  	[sflag:s10] =	ssyncset.done $0x0  }
0x10e: {  	[sflag:s10] =	ssyncadd.s32 $0xFFFFC000  }
0x10f: {  	[tilespmem:s7], [sflag:$0x1] =	stream.indirect.gather [hbm4b:s25+s6], $0x80, s21, s6, $0xb8;
	[tilespmem:$0x8400] =	vst v63  }
0x110: {  	_ =	swait.ge [sflag:s12], $0x4000  }
0x111: {  	[sflag:s12] =	ssyncset.done $0x0  }
0x112: {  	[sflag:s12] =	ssyncadd.s32 $0xFFFFC000  }
0x113: {  	[hbm4b:s29+s2] =	stream.linear.scatter [tilespmem:s8], [sflag:$0x4], $0x4000, $0x38;
	[tilespmem:$0x8400] =	vst v63  }
0x114: {  	_ =	swait.ge [sflag:s13], $0x4000  }
0x115: {  	[sflag:s13] =	ssyncset.done $0x0  }
0x116: {  	[sflag:s13] =	ssyncadd.s32 $0xFFFFC000  }
0x117: {  	[tilespmem:s8], [sflag:$0x2] =	stream.indirect.gather [hbm4b:s25+s6], $0x80, s23, s6, $0xb8;
	[tilespmem:$0x8400] =	vst v63  }
0x118: {  	_ =	swait.ge [sflag:s9], $0x4000  }
0x119: {  	[sflag:s9] =	ssyncset.done $0x0  }
0x11a: {  	[sflag:s9] =	ssyncadd.s32 $0xFFFFC000  }
0x11b: {  	[hbm4b:s30+s2] =	stream.linear.scatter [tilespmem:s7], [sflag:$0x3], $0x4000, $0x38;
	[tilespmem:$0x8400] =	vst v63  }
0x11c: {  	_ =	swait.ge [sflag:s12], $0x4000  }
0x11d: {  	[sflag:s12] =	ssyncset.done $0x0  }
0x11e: {  	p0 =	sne.s32 s0, $0x1;
	[sflag:s12] =	ssyncadd.s32 $0xFFFFC000  }
0x11f: {  	[hbm4b:s31+s2] =	stream.linear.scatter [tilespmem:s8], [sflag:$0x4], $0x4000, $0x38;
	[tilespmem:$0x8400] =	vst v63  }
.Ltmp1:
0x120: {  	_ =	swait.ge [sflag:s10], $0x4000;
	(pc) =	sbr.rel @p0 .LBB2_1-.Ltmp1, $4  }
0x121: {  	[sflag:s10] =	ssyncset.done $0x0  }
0x122: {  	[sflag:s10] =	ssyncadd.s32 $0xFFFFC000  }
0x123: {  	_ =	swait.ge [sflag:s13], $0x4000  }
0x124: {  	s0 =	sadd.s32 $0xFFFFFFFF, s0;
	[sflag:s13] =	ssyncset.done $0x0  }
.LBB2_2:
0x125: {  	[sflag:s13] =	ssyncadd.s32 $0xFFFFC000  }
0x126: {  	_ =	sfence.sel $0x180000  }
0x127: {  	[bflag:$0x0] =	sbarrier.arrive $0xFFFF  }
0x128: {  	_ =	strace $0x90000047  }
0x129: {  	s0 =	stileid.u32;
	[bflag:$0x2] =	sbarrier.arrive $0xFFFF  }
0x12a: {  	p0 =	sne.s32 s0, $0x0;
	s0 =	rddreg [dreg:$0x1]  }
0x12b: {  	s0 =	sadd.s32 @!p0 $0x100000, s0  }
0x12c: {  	[sflag:s0] =	ssyncadd.tile.s32 @!p0 $0x1;
	_ =	shalt  }
.Lfunc_end2:
_tile_overlayer_lowered:
.L_overlay_start_2:
0x12d: {  	(tag) =	ssettag $0x2  }
0x12e: {  	s0 =	rddreg [dreg:$0x0];
	s2 =	stileid.u32  }
0x12f: {  	s1 =	rddreg [dreg:$0x1];
	p0 =	sne.s32 s2, $0x0  }
0x130: {  	s3 =	rddreg [dreg:$0x2];
	[bflag:$0x3] =	sbarrier.arrive $0xFFFF;
	s2 =	simm.s32 @!p0 $0x1C05  }
0x131: {  	[timem:s3], [sflag:s2] =	dma.local @!p0 [hbm:s0], s1  }
0x132: {  	s0 =	simm.s32 @!p0 $0x5  }
0x133: {  	_ =	swait.ge @!p0 [sflag:s0], s1  }
0x134: {  	s1 =	ssub.s32 @!p0 $0x0, s1;
	[sflag:s0] =	ssyncset.done @!p0 $0x0  }
0x135: {  	[sflag:s0] =	ssyncadd.s32 @!p0 s1  }
0x136: {  	[bflag:$0x3] =	sbarrier.arrive $0xFFFF  }
0x137: {  	_ =	shalt  }

</sc_bundles>
